<compile_context>
chip_gen: v7x
topology: tpu7x:2x2x1
jax: 0.10.2.dev20260603
libtpu: 0.0.44.dev20260713+nightly
codegen_flags: <defaults>
</compile_context>

<pallas_src>
import jax
import jax.numpy as jnp
from jax import lax
from jax.experimental import pallas as pl
from jax.experimental.pallas import tpu as pltpu
from jax.experimental.pallas import tpu_sc as plsc

D = 128
L = 16
NJ = D // L
NC, NS = 2, 16
NW = NC * NS
R = 125


def _rsqrt(x):
    i = plsc.bitcast(x, jnp.int32)
    i = jnp.int32(0x5F3759DF) - (i >> 1)
    y = plsc.bitcast(i, jnp.float32)
    return y * (1.5 - (x * 0.5) * y * y)


def _sc_body(rows_w, g_chunks):
    RD = R * D

    def body(feat_hbm, scale_hbm, offset_hbm, out_hbm,
             in_v, out_v, si0, si1, sq0, sq1):
        c = lax.axis_index("c")
        s = lax.axis_index("s")
        wid = s * NC + c
        base = wid * rows_w

        inv_d = jnp.float32(1.0 / D)
        sin = (si0, si1)
        sout = (sq0, sq1)

        def in_copy(g, slot):
            return pltpu.make_async_copy(
                feat_hbm.at[pl.ds((base + g * R) * D, RD)],
                in_v.at[pl.ds(slot * RD, RD)], sin[slot])

        def out_copy(g, slot):
            return pltpu.make_async_copy(
                out_v.at[pl.ds(slot * RD, RD)],
                out_hbm.at[pl.ds((base + g * R) * D, RD)], sout[slot])

        def compute(slot):
            ib = slot * RD

            @plsc.parallel_loop(0, R, unroll=1)
            def row(r):
                b = ib + r * D
                v = [in_v[pl.ds(b + j * L, L)] for j in range(NJ)]
                tot = (v[0] + v[1]) + (v[2] + v[3]) + (
                    (v[4] + v[5]) + (v[6] + v[7]))
                mean = jnp.broadcast_to(jnp.sum(tot), (L,)) * inv_d
                d = [vj - mean for vj in v]
                sq = (d[0] * d[0] + d[1] * d[1]) + (d[2] * d[2] + d[3] * d[3]) + (
                    (d[4] * d[4] + d[5] * d[5]) + (d[6] * d[6] + d[7] * d[7]))
                var = jnp.broadcast_to(jnp.sum(sq), (L,)) * inv_d + 1e-9
                rs = _rsqrt(var)
                for j in range(NJ):
                    out_v[pl.ds(b + j * L, L)] = d[j] * rs

        G = g_chunks
        in_copy(0, 0).start()

        def pair(i, carry):
            for b in (0, 1):
                g = 2 * i + b
                in_copy(g + 1, 1 - b).start()
                in_copy(g, b).wait()

                @pl.when(g >= 2)
                def _():
                    out_copy(g - 2, b).wait()

                compute(b)
                out_copy(g, b).start()
            return carry

        n_pairs = (G - 1) // 2
        lax.fori_loop(0, n_pairs, pair, 0)

        for g in range(2 * n_pairs, G):
            slot = g % 2
            if g + 1 < G:
                in_copy(g + 1, 1 - slot).start()
            in_copy(g, slot).wait()
            if g >= 2:
                out_copy(g - 2, slot).wait()
            compute(slot)
            out_copy(g, slot).start()
        out_copy(G - 2, (G - 2) % 2).wait()
        out_copy(G - 1, (G - 1) % 2).wait()

    return body


def _sc_norm(feat_flat, scale_flat, offset_flat, n_rows):
    rows_w = n_rows // NW
    g_chunks = rows_w // R
    RD = R * D
    mesh = plsc.VectorSubcoreMesh(core_axis_name="c", subcore_axis_name="s")
    f = pl.kernel(
        _sc_body(rows_w, g_chunks),
        out_type=jax.ShapeDtypeStruct((n_rows * D,), jnp.float32),
        mesh=mesh,
        scratch_types=[
            pltpu.VMEM((2 * RD,), jnp.float32),
            pltpu.VMEM((2 * RD,), jnp.float32),
            pltpu.SemaphoreType.DMA,
            pltpu.SemaphoreType.DMA,
            pltpu.SemaphoreType.DMA,
            pltpu.SemaphoreType.DMA,
        ],
        compiler_params=pltpu.CompilerParams(needs_layout_passes=False),
    )
    return f(feat_flat, scale_flat, offset_flat)


@jax.jit
def _norm(feat, scale, offset):
    n = feat.shape[0]
    out = _sc_norm(feat.reshape(-1), scale.reshape(-1),
                   offset.reshape(-1), n)
    return out.reshape(n, D)


def kernel(feat, sizes_subg, scale, offset):
    return _norm(feat, scale, offset)

# --- scband reference (transcript-rebuilt; emitter-appended) ---
"""Pipeline reference for scband-sha-dow-layer-44495861186572 (READ-ONLY COPY).

The authoritative reference and input builder live on the scoring server;
editing this copy changes nothing except your own understanding.
"""

import jax, jax.numpy as jnp
import numpy as np

N = 100000
D = 128

def setup_inputs(seed: int = 0) -> dict:
    key = jax.random.key(seed)
    k1, k2 = jax.random.split(key, 2)
    feat = jax.random.normal(k1, (N, D), dtype=jnp.float32)
    sizes_subg = jnp.ones((1,), dtype=jnp.int32)  # unused in norm_feat path
    # learned params of shaDowLayer with norm='norm_feat', norm_dim=(1, dim_out)
    scale = jnp.ones((1, D), dtype=jnp.float32)
    offset = jnp.zeros((1, D), dtype=jnp.float32)
    return {"feat": feat, "sizes_subg": sizes_subg, "scale": scale, "offset": offset}

def reference(feat, sizes_subg, scale, offset):
    # Faithful translation of shaDowLayer.f_norm with norm='norm_feat' and
    # norm_dim=(1, dim_out): loop_idx is just [(0,)], feat_l is a 1-element
    # list holding `feat`. Per-node feature normalization (layernorm-like).
    mean = jnp.mean(feat, axis=1, keepdims=True)
    var = jnp.var(feat, axis=1, ddof=0).reshape(feat.shape[0], 1) + 1e-09
    feat_norm = (feat - mean) * scale[0] * jax.lax.rsqrt(var) + offset[0]
    return feat_norm

if __name__ == "__main__":
    import jax
    _d = setup_inputs()
    print(jax.jit(kernel)(*tuple(_d.values())))

</pallas_src>

<mosaic_0001>
#map = affine_map<(d0, d1) -> (0)>
module attributes {stable_mosaic.version = 14 : i64} {
  func.func @body(%arg0: i32, %arg1: i32, %arg2: memref<12800000xf32, #tpu.memory_space<hbm>>, %arg3: memref<128xf32, #tpu.memory_space<hbm>>, %arg4: memref<128xf32, #tpu.memory_space<hbm>>, %arg5: memref<12800000xf32, #tpu.memory_space<hbm>>, %arg6: memref<32000xf32, #tpu.memory_space<vmem>>, %arg7: memref<32000xf32, #tpu.memory_space<vmem>>, %arg8: memref<!tpu.dma_semaphore, #tpu.memory_space<semaphore_mem>>, %arg9: memref<!tpu.dma_semaphore, #tpu.memory_space<semaphore_mem>>, %arg10: memref<!tpu.dma_semaphore, #tpu.memory_space<semaphore_mem>>, %arg11: memref<!tpu.dma_semaphore, #tpu.memory_space<semaphore_mem>>) attributes {dimension_semantics = [#tpu.dimension_semantics<core_parallel>, #tpu.dimension_semantics<subcore_parallel>], iteration_bounds = array<i64: 2, 16>, scalar_prefetch = 0 : i64, scratch_operands = 6 : i64, tpu.core_type = #tpu.core_type<sc_vector_subcore>, window_params = [{transform_indices = #map}, {transform_indices = #map}, {transform_indices = #map}, {transform_indices = #map}]} {
    %mul3A = arith.constant 2 : i32
    %mul3A_0 = arith.muli %arg1, %mul3A : i32
    %add3A = arith.addi %mul3A_0, %arg0 : i32
    %mul3A_1 = arith.constant 3125 : i32
    %mul3A_2 = arith.muli %add3A, %mul3A_1 : i32
    %add3A_3 = arith.constant 0 : i32
    %add3A_4 = arith.addi %mul3A_2, %add3A_3 : i32
    %mul3A_5 = arith.constant 128 : i32
    %mul3A_6 = arith.muli %add3A_4, %mul3A_5 : i32
    %dma_start3A = arith.constant 0 : i32
    %dma_start3A_7 = tpu.memref_slice %arg6[%dma_start3A] : memref<32000xf32, #tpu.memory_space<vmem>> -> memref<16000xf32, #tpu.memory_space<vmem>>
    %dma_start3A_8 = tpu.memref_slice %arg2[%mul3A_6] : memref<12800000xf32, #tpu.memory_space<hbm>> -> memref<16000xf32, #tpu.memory_space<hbm>>
    %dma_start3A_9 = arith.constant 0 : i32
    %dma_start3A_10 = tpu.memref_slice %arg6[%dma_start3A_9] : memref<32000xf32, #tpu.memory_space<vmem>> -> memref<16000xf32, #tpu.memory_space<vmem>>
    %dma_start3A_11 = tpu.memref_slice %arg2[%mul3A_6] : memref<12800000xf32, #tpu.memory_space<hbm>> -> memref<16000xf32, #tpu.memory_space<hbm>>
    tpu.enqueue_dma source(%dma_start3A_11 : memref<16000xf32, #tpu.memory_space<hbm>>) target(%dma_start3A_10 : memref<16000xf32, #tpu.memory_space<vmem>>) target_semaphore(%arg8 : memref<!tpu.dma_semaphore, #tpu.memory_space<semaphore_mem>>)
    %scan3A = arith.constant 0 : i32
    %scan3A_12 = arith.constant 7.812500e-03 : f32
    %scan3A_13 = arith.constant 0 : i32
    %scan3A_14 = arith.constant 12 : i32
    %scan3A_15 = arith.addi %scan3A_13, %scan3A_14 : i32
    %scan3A_16 = arith.constant 1 : i32
    scf.for %scan3A_70 = %scan3A_13 to %scan3A_15 step %scan3A_16  : i32 {
      %mul3A_71 = arith.constant 2 : i32
      %mul3A_72 = arith.muli %mul3A_71, %scan3A_70 : i32
      %add3A_73 = arith.constant 0 : i32
      %add3A_74 = arith.addi %mul3A_72, %add3A_73 : i32
      %add3A_75 = arith.constant 1 : i32
      %add3A_76 = arith.addi %add3A_74, %add3A_75 : i32
      %mul3A_77 = arith.constant 125 : i32
      %mul3A_78 = arith.muli %add3A_76, %mul3A_77 : i32
      %add3A_79 = arith.addi %mul3A_2, %mul3A_78 : i32
      %mul3A_80 = arith.constant 128 : i32
      %mul3A_81 = arith.muli %add3A_79, %mul3A_80 : i32
      %dma_start3A_82 = arith.constant 16000 : i32
      %dma_start3A_83 = tpu.memref_slice %arg6[%dma_start3A_82] : memref<32000xf32, #tpu.memory_space<vmem>> -> memref<16000xf32, #tpu.memory_space<vmem>>
      %dma_start3A_84 = tpu.memref_slice %arg2[%mul3A_81] : memref<12800000xf32, #tpu.memory_space<hbm>> -> memref<16000xf32, #tpu.memory_space<hbm>>
      %dma_start3A_85 = arith.constant 16000 : i32
      %dma_start3A_86 = tpu.memref_slice %arg6[%dma_start3A_85] : memref<32000xf32, #tpu.memory_space<vmem>> -> memref<16000xf32, #tpu.memory_space<vmem>>
      %dma_start3A_87 = tpu.memref_slice %arg2[%mul3A_81] : memref<12800000xf32, #tpu.memory_space<hbm>> -> memref<16000xf32, #tpu.memory_space<hbm>>
      tpu.enqueue_dma source(%dma_start3A_87 : memref<16000xf32, #tpu.memory_space<hbm>>) target(%dma_start3A_86 : memref<16000xf32, #tpu.memory_space<vmem>>) target_semaphore(%arg9 : memref<!tpu.dma_semaphore, #tpu.memory_space<semaphore_mem>>)
      %mul3A_88 = arith.constant 125 : i32
      %mul3A_89 = arith.muli %add3A_74, %mul3A_88 : i32
      %add3A_90 = arith.addi %mul3A_2, %mul3A_89 : i32
      %mul3A_91 = arith.constant 128 : i32
      %mul3A_92 = arith.muli %add3A_90, %mul3A_91 : i32
      %dma_wait3A_93 = arith.constant 0 : i32
      %dma_wait3A_94 = tpu.memref_slice %arg6[%dma_wait3A_93] : memref<32000xf32, #tpu.memory_space<vmem>> -> memref<16000xf32, #tpu.memory_space<vmem>>
      %dma_wait3A_95 = tpu.memref_slice %arg2[%mul3A_92] : memref<12800000xf32, #tpu.memory_space<hbm>> -> memref<16000xf32, #tpu.memory_space<hbm>>
      %dma_wait3A_96 = arith.constant 0 : i32
      %dma_wait3A_97 = tpu.memref_slice %arg6[%dma_wait3A_96] : memref<32000xf32, #tpu.memory_space<vmem>> -> memref<16000xf32, #tpu.memory_space<vmem>>
      %dma_wait3A_98 = tpu.memref_slice %arg2[%mul3A_92] : memref<12800000xf32, #tpu.memory_space<hbm>> -> memref<16000xf32, #tpu.memory_space<hbm>>
      tpu.wait_dma2 semaphore(%arg8 : memref<!tpu.dma_semaphore, #tpu.memory_space<semaphore_mem>>) src(%dma_wait3A_98 : memref<16000xf32, #tpu.memory_space<hbm>>) dst(%dma_wait3A_97 : memref<16000xf32, #tpu.memory_space<vmem>>)
      %ge3A = arith.constant 2 : i32
      %ge3A_99 = arith.cmpi sge, %add3A_74, %ge3A : i32
      %convert_element_type3A = arith.extui %ge3A_99 : i1 to i32
      %cond3A = arith.constant 0 : i32
      %cond3A_100 = arith.cmpi ne, %convert_element_type3A, %cond3A : i32
      scf.if %cond3A_100 {
        %sub3A = arith.constant 2 : i32
        %sub3A_162 = arith.subi %add3A_74, %sub3A : i32
        %mul3A_163 = arith.constant 125 : i32
        %mul3A_164 = arith.muli %sub3A_162, %mul3A_163 : i32
        %add3A_165 = arith.addi %mul3A_2, %mul3A_164 : i32
        %mul3A_166 = arith.constant 128 : i32
        %mul3A_167 = arith.muli %add3A_165, %mul3A_166 : i32
        %dma_wait3A_168 = arith.constant 0 : i32
        %dma_wait3A_169 = tpu.memref_slice %arg7[%dma_wait3A_168] : memref<32000xf32, #tpu.memory_space<vmem>> -> memref<16000xf32, #tpu.memory_space<vmem>>
        %dma_wait3A_170 = tpu.memref_slice %arg5[%mul3A_167] : memref<12800000xf32, #tpu.memory_space<hbm>> -> memref<16000xf32, #tpu.memory_space<hbm>>
        %dma_wait3A_171 = tpu.memref_slice %arg5[%mul3A_167] : memref<12800000xf32, #tpu.memory_space<hbm>> -> memref<16000xf32, #tpu.memory_space<hbm>>
        %dma_wait3A_172 = arith.constant 0 : i32
        %dma_wait3A_173 = tpu.memref_slice %arg7[%dma_wait3A_172] : memref<32000xf32, #tpu.memory_space<vmem>> -> memref<16000xf32, #tpu.memory_space<vmem>>
        tpu.wait_dma2 semaphore(%arg10 : memref<!tpu.dma_semaphore, #tpu.memory_space<semaphore_mem>>) src(%dma_wait3A_173 : memref<16000xf32, #tpu.memory_space<vmem>>) dst(%dma_wait3A_171 : memref<16000xf32, #tpu.memory_space<hbm>>)
      } else {
      }
      %parallel_loop3A_101 = arith.constant 0 : i32
      %parallel_loop3A_102 = arith.constant 125 : i32
      %parallel_loop3A_103 = arith.constant 1 : i32
      scf.for %parallel_loop3A_162 = %parallel_loop3A_101 to %parallel_loop3A_102 step %parallel_loop3A_103  : i32 {
        %parallel_loop3A_163 = arith.constant 128 : i32
        %parallel_loop3A_164 = arith.muli %parallel_loop3A_162, %parallel_loop3A_163 : i32
        %parallel_loop3A_165 = arith.constant 0 : i32
        %parallel_loop3A_166 = arith.addi %parallel_loop3A_165, %parallel_loop3A_164 : i32
        %parallel_loop3A_167 = arith.constant 0 : i32
        %parallel_loop3A_168 = arith.addi %parallel_loop3A_166, %parallel_loop3A_167 : i32
        %parallel_loop3A_169 = arith.index_cast %parallel_loop3A_168 : i32 to index
        %parallel_loop3A_170 = tpu.vector_load %arg6[%parallel_loop3A_169] {strides = array<i32>} : memref<32000xf32, #tpu.memory_space<vmem>>, vector<16xf32>,
        %parallel_loop3A_171 = arith.constant 16 : i32
        %parallel_loop3A_172 = arith.addi %parallel_loop3A_166, %parallel_loop3A_171 : i32
        %parallel_loop3A_173 = arith.index_cast %parallel_loop3A_172 : i32 to index
        %parallel_loop3A_174 = tpu.vector_load %arg6[%parallel_loop3A_173] {strides = array<i32>} : memref<32000xf32, #tpu.memory_space<vmem>>, vector<16xf32>,
        %parallel_loop3A_175 = arith.constant 32 : i32
        %parallel_loop3A_176 = arith.addi %parallel_loop3A_166, %parallel_loop3A_175 : i32
        %parallel_loop3A_177 = arith.index_cast %parallel_loop3A_176 : i32 to index
        %parallel_loop3A_178 = tpu.vector_load %arg6[%parallel_loop3A_177] {strides = array<i32>} : memref<32000xf32, #tpu.memory_space<vmem>>, vector<16xf32>,
        %parallel_loop3A_179 = arith.constant 48 : i32
        %parallel_loop3A_180 = arith.addi %parallel_loop3A_166, %parallel_loop3A_179 : i32
        %parallel_loop3A_181 = arith.index_cast %parallel_loop3A_180 : i32 to index
        %parallel_loop3A_182 = tpu.vector_load %arg6[%parallel_loop3A_181] {strides = array<i32>} : memref<32000xf32, #tpu.memory_space<vmem>>, vector<16xf32>,
        %parallel_loop3A_183 = arith.constant 64 : i32
        %parallel_loop3A_184 = arith.addi %parallel_loop3A_166, %parallel_loop3A_183 : i32
        %parallel_loop3A_185 = arith.index_cast %parallel_loop3A_184 : i32 to index
        %parallel_loop3A_186 = tpu.vector_load %arg6[%parallel_loop3A_185] {strides = array<i32>} : memref<32000xf32, #tpu.memory_space<vmem>>, vector<16xf32>,
        %parallel_loop3A_187 = arith.constant 80 : i32
        %parallel_loop3A_188 = arith.addi %parallel_loop3A_166, %parallel_loop3A_187 : i32
        %parallel_loop3A_189 = arith.index_cast %parallel_loop3A_188 : i32 to index
        %parallel_loop3A_190 = tpu.vector_load %arg6[%parallel_loop3A_189] {strides = array<i32>} : memref<32000xf32, #tpu.memory_space<vmem>>, vector<16xf32>,
        %parallel_loop3A_191 = arith.constant 96 : i32
        %parallel_loop3A_192 = arith.addi %parallel_loop3A_166, %parallel_loop3A_191 : i32
        %parallel_loop3A_193 = arith.index_cast %parallel_loop3A_192 : i32 to index
        %parallel_loop3A_194 = tpu.vector_load %arg6[%parallel_loop3A_193] {strides = array<i32>} : memref<32000xf32, #tpu.memory_space<vmem>>, vector<16xf32>,
        %parallel_loop3A_195 = arith.constant 112 : i32
        %parallel_loop3A_196 = arith.addi %parallel_loop3A_166, %parallel_loop3A_195 : i32
        %parallel_loop3A_197 = arith.index_cast %parallel_loop3A_196 : i32 to index
        %parallel_loop3A_198 = tpu.vector_load %arg6[%parallel_loop3A_197] {strides = array<i32>} : memref<32000xf32, #tpu.memory_space<vmem>>, vector<16xf32>,
        %parallel_loop3A_199 = arith.addf %parallel_loop3A_170, %parallel_loop3A_174 : vector<16xf32>
        %parallel_loop3A_200 = arith.addf %parallel_loop3A_178, %parallel_loop3A_182 : vector<16xf32>
        %parallel_loop3A_201 = arith.addf %parallel_loop3A_199, %parallel_loop3A_200 : vector<16xf32>
        %parallel_loop3A_202 = arith.addf %parallel_loop3A_186, %parallel_loop3A_190 : vector<16xf32>
        %parallel_loop3A_203 = arith.addf %parallel_loop3A_194, %parallel_loop3A_198 : vector<16xf32>
        %parallel_loop3A_204 = arith.addf %parallel_loop3A_202, %parallel_loop3A_203 : vector<16xf32>
        %parallel_loop3A_205 = arith.addf %parallel_loop3A_201, %parallel_loop3A_204 : vector<16xf32>
        %parallel_loop3A_206 = arith.constant true
        %parallel_loop3A_207 = vector.broadcast %parallel_loop3A_206 : i1 to vector<16xi1>
        %parallel_loop3A_208 = tpu.scan <sum>, %parallel_loop3A_205 masked %parallel_loop3A_207 : vector<16xf32>, vector<16xi1> -> vector<16xf32>
        %parallel_loop3A_209 = vector.extract %parallel_loop3A_208[15] : f32 from vector<16xf32>
        %parallel_loop3A_210 = vector.broadcast %parallel_loop3A_209 : f32 to vector<16xf32>
        %parallel_loop3A_211 = vector.broadcast %scan3A_12 : f32 to vector<16xf32>
        %parallel_loop3A_212 = arith.mulf %parallel_loop3A_210, %parallel_loop3A_211 : vector<16xf32>
        %parallel_loop3A_213 = arith.subf %parallel_loop3A_170, %parallel_loop3A_212 : vector<16xf32>
        %parallel_loop3A_214 = arith.subf %parallel_loop3A_174, %parallel_loop3A_212 : vector<16xf32>
        %parallel_loop3A_215 = arith.subf %parallel_loop3A_178, %parallel_loop3A_212 : vector<16xf32>
        %parallel_loop3A_216 = arith.subf %parallel_loop3A_182, %parallel_loop3A_212 : vector<16xf32>
        %parallel_loop3A_217 = arith.subf %parallel_loop3A_186, %parallel_loop3A_212 : vector<16xf32>
        %parallel_loop3A_218 = arith.subf %parallel_loop3A_190, %parallel_loop3A_212 : vector<16xf32>
        %parallel_loop3A_219 = arith.subf %parallel_loop3A_194, %parallel_loop3A_212 : vector<16xf32>
        %parallel_loop3A_220 = arith.subf %parallel_loop3A_198, %parallel_loop3A_212 : vector<16xf32>
        %parallel_loop3A_221 = arith.mulf %parallel_loop3A_213, %parallel_loop3A_213 : vector<16xf32>
        %parallel_loop3A_222 = arith.mulf %parallel_loop3A_214, %parallel_loop3A_214 : vector<16xf32>
        %parallel_loop3A_223 = arith.addf %parallel_loop3A_221, %parallel_loop3A_222 : vector<16xf32>
        %parallel_loop3A_224 = arith.mulf %parallel_loop3A_215, %parallel_loop3A_215 : vector<16xf32>
        %parallel_loop3A_225 = arith.mulf %parallel_loop3A_216, %parallel_loop3A_216 : vector<16xf32>
        %parallel_loop3A_226 = arith.addf %parallel_loop3A_224, %parallel_loop3A_225 : vector<16xf32>
        %parallel_loop3A_227 = arith.addf %parallel_loop3A_223, %parallel_loop3A_226 : vector<16xf32>
        %parallel_loop3A_228 = arith.mulf %parallel_loop3A_217, %parallel_loop3A_217 : vector<16xf32>
        %parallel_loop3A_229 = arith.mulf %parallel_loop3A_218, %parallel_loop3A_218 : vector<16xf32>
        %parallel_loop3A_230 = arith.addf %parallel_loop3A_228, %parallel_loop3A_229 : vector<16xf32>
        %parallel_loop3A_231 = arith.mulf %parallel_loop3A_219, %parallel_loop3A_219 : vector<16xf32>
        %parallel_loop3A_232 = arith.mulf %parallel_loop3A_220, %parallel_loop3A_220 : vector<16xf32>
        %parallel_loop3A_233 = arith.addf %parallel_loop3A_231, %parallel_loop3A_232 : vector<16xf32>
        %parallel_loop3A_234 = arith.addf %parallel_loop3A_230, %parallel_loop3A_233 : vector<16xf32>
        %parallel_loop3A_235 = arith.addf %parallel_loop3A_227, %parallel_loop3A_234 : vector<16xf32>
        %parallel_loop3A_236 = arith.constant true
        %parallel_loop3A_237 = vector.broadcast %parallel_loop3A_236 : i1 to vector<16xi1>
        %parallel_loop3A_238 = tpu.scan <sum>, %parallel_loop3A_235 masked %parallel_loop3A_237 : vector<16xf32>, vector<16xi1> -> vector<16xf32>
        %parallel_loop3A_239 = vector.extract %parallel_loop3A_238[15] : f32 from vector<16xf32>
        %parallel_loop3A_240 = vector.broadcast %parallel_loop3A_239 : f32 to vector<16xf32>
        %parallel_loop3A_241 = vector.broadcast %scan3A_12 : f32 to vector<16xf32>
        %parallel_loop3A_242 = arith.mulf %parallel_loop3A_240, %parallel_loop3A_241 : vector<16xf32>
        %parallel_loop3A_243 = arith.constant 9.99999971E-10 : f32
        %parallel_loop3A_244 = vector.broadcast %parallel_loop3A_243 : f32 to vector<16xf32>
        %parallel_loop3A_245 = arith.addf %parallel_loop3A_242, %parallel_loop3A_244 : vector<16xf32>
        %parallel_loop3A_246 = vector.bitcast %parallel_loop3A_245 : vector<16xf32> to vector<16xi32>
        %parallel_loop3A_247 = arith.constant 1 : i32
        %parallel_loop3A_248 = vector.broadcast %parallel_loop3A_247 : i32 to vector<16xi32>
        %parallel_loop3A_249 = arith.shrsi %parallel_loop3A_246, %parallel_loop3A_248 : vector<16xi32>
        %parallel_loop3A_250 = arith.constant 1597463007 : i32
        %parallel_loop3A_251 = vector.broadcast %parallel_loop3A_250 : i32 to vector<16xi32>
        %parallel_loop3A_252 = arith.subi %parallel_loop3A_251, %parallel_loop3A_249 : vector<16xi32>
        %parallel_loop3A_253 = vector.bitcast %parallel_loop3A_252 : vector<16xi32> to vector<16xf32>
        %parallel_loop3A_254 = arith.constant 5.000000e-01 : f32
        %parallel_loop3A_255 = vector.broadcast %parallel_loop3A_254 : f32 to vector<16xf32>
        %parallel_loop3A_256 = arith.mulf %parallel_loop3A_245, %parallel_loop3A_255 : vector<16xf32>
        %parallel_loop3A_257 = arith.mulf %parallel_loop3A_256, %parallel_loop3A_253 : vector<16xf32>
        %parallel_loop3A_258 = arith.mulf %parallel_loop3A_257, %parallel_loop3A_253 : vector<16xf32>
        %parallel_loop3A_259 = arith.constant 1.500000e+00 : f32
        %parallel_loop3A_260 = vector.broadcast %parallel_loop3A_259 : f32 to vector<16xf32>
        %parallel_loop3A_261 = arith.subf %parallel_loop3A_260, %parallel_loop3A_258 : vector<16xf32>
        %parallel_loop3A_262 = arith.mulf %parallel_loop3A_253, %parallel_loop3A_261 : vector<16xf32>
        %parallel_loop3A_263 = arith.mulf %parallel_loop3A_213, %parallel_loop3A_262 : vector<16xf32>
        %parallel_loop3A_264 = arith.constant 0 : i32
        %parallel_loop3A_265 = arith.addi %parallel_loop3A_166, %parallel_loop3A_264 : i32
        %parallel_loop3A_266 = arith.index_cast %parallel_loop3A_265 : i32 to index
        %parallel_loop3A_267 = tpu.vector_load %arg7[%parallel_loop3A_266] {strides = array<i32>} : memref<32000xf32, #tpu.memory_space<vmem>>, vector<16xf32>,
        tpu.vector_store %arg7[%parallel_loop3A_266], %parallel_loop3A_263 {strides = array<i32>} : memref<32000xf32, #tpu.memory_space<vmem>>, vector<16xf32>,
        %parallel_loop3A_268 = arith.mulf %parallel_loop3A_214, %parallel_loop3A_262 : vector<16xf32>
        %parallel_loop3A_269 = arith.constant 16 : i32
        %parallel_loop3A_270 = arith.addi %parallel_loop3A_166, %parallel_loop3A_269 : i32
        %parallel_loop3A_271 = arith.index_cast %parallel_loop3A_270 : i32 to index
        %parallel_loop3A_272 = tpu.vector_load %arg7[%parallel_loop3A_271] {strides = array<i32>} : memref<32000xf32, #tpu.memory_space<vmem>>, vector<16xf32>,
        tpu.vector_store %arg7[%parallel_loop3A_271], %parallel_loop3A_268 {strides = array<i32>} : memref<32000xf32, #tpu.memory_space<vmem>>, vector<16xf32>,
        %parallel_loop3A_273 = arith.mulf %parallel_loop3A_215, %parallel_loop3A_262 : vector<16xf32>
        %parallel_loop3A_274 = arith.constant 32 : i32
        %parallel_loop3A_275 = arith.addi %parallel_loop3A_166, %parallel_loop3A_274 : i32
        %parallel_loop3A_276 = arith.index_cast %parallel_loop3A_275 : i32 to index
        %parallel_loop3A_277 = tpu.vector_load %arg7[%parallel_loop3A_276] {strides = array<i32>} : memref<32000xf32, #tpu.memory_space<vmem>>, vector<16xf32>,
        tpu.vector_store %arg7[%parallel_loop3A_276], %parallel_loop3A_273 {strides = array<i32>} : memref<32000xf32, #tpu.memory_space<vmem>>, vector<16xf32>,
        %parallel_loop3A_278 = arith.mulf %parallel_loop3A_216, %parallel_loop3A_262 : vector<16xf32>
        %parallel_loop3A_279 = arith.constant 48 : i32
        %parallel_loop3A_280 = arith.addi %parallel_loop3A_166, %parallel_loop3A_279 : i32
        %parallel_loop3A_281 = arith.index_cast %parallel_loop3A_280 : i32 to index
        %parallel_loop3A_282 = tpu.vector_load %arg7[%parallel_loop3A_281] {strides = array<i32>} : memref<32000xf32, #tpu.memory_space<vmem>>, vector<16xf32>,
        tpu.vector_store %arg7[%parallel_loop3A_281], %parallel_loop3A_278 {strides = array<i32>} : memref<32000xf32, #tpu.memory_space<vmem>>, vector<16xf32>,
        %parallel_loop3A_283 = arith.mulf %parallel_loop3A_217, %parallel_loop3A_262 : vector<16xf32>
        %parallel_loop3A_284 = arith.constant 64 : i32
        %parallel_loop3A_285 = arith.addi %parallel_loop3A_166, %parallel_loop3A_284 : i32
        %parallel_loop3A_286 = arith.index_cast %parallel_loop3A_285 : i32 to index
        %parallel_loop3A_287 = tpu.vector_load %arg7[%parallel_loop3A_286] {strides = array<i32>} : memref<32000xf32, #tpu.memory_space<vmem>>, vector<16xf32>,
        tpu.vector_store %arg7[%parallel_loop3A_286], %parallel_loop3A_283 {strides = array<i32>} : memref<32000xf32, #tpu.memory_space<vmem>>, vector<16xf32>,
        %parallel_loop3A_288 = arith.mulf %parallel_loop3A_218, %parallel_loop3A_262 : vector<16xf32>
        %parallel_loop3A_289 = arith.constant 80 : i32
        %parallel_loop3A_290 = arith.addi %parallel_loop3A_166, %parallel_loop3A_289 : i32
        %parallel_loop3A_291 = arith.index_cast %parallel_loop3A_290 : i32 to index
        %parallel_loop3A_292 = tpu.vector_load %arg7[%parallel_loop3A_291] {strides = array<i32>} : memref<32000xf32, #tpu.memory_space<vmem>>, vector<16xf32>,
        tpu.vector_store %arg7[%parallel_loop3A_291], %parallel_loop3A_288 {strides = array<i32>} : memref<32000xf32, #tpu.memory_space<vmem>>, vector<16xf32>,
        %parallel_loop3A_293 = arith.mulf %parallel_loop3A_219, %parallel_loop3A_262 : vector<16xf32>
        %parallel_loop3A_294 = arith.constant 96 : i32
        %parallel_loop3A_295 = arith.addi %parallel_loop3A_166, %parallel_loop3A_294 : i32
        %parallel_loop3A_296 = arith.index_cast %parallel_loop3A_295 : i32 to index
        %parallel_loop3A_297 = tpu.vector_load %arg7[%parallel_loop3A_296] {strides = array<i32>} : memref<32000xf32, #tpu.memory_space<vmem>>, vector<16xf32>,
        tpu.vector_store %arg7[%parallel_loop3A_296], %parallel_loop3A_293 {strides = array<i32>} : memref<32000xf32, #tpu.memory_space<vmem>>, vector<16xf32>,
        %parallel_loop3A_298 = arith.mulf %parallel_loop3A_220, %parallel_loop3A_262 : vector<16xf32>
        %parallel_loop3A_299 = arith.constant 112 : i32
        %parallel_loop3A_300 = arith.addi %parallel_loop3A_166, %parallel_loop3A_299 : i32
        %parallel_loop3A_301 = arith.index_cast %parallel_loop3A_300 : i32 to index
        %parallel_loop3A_302 = tpu.vector_load %arg7[%parallel_loop3A_301] {strides = array<i32>} : memref<32000xf32, #tpu.memory_space<vmem>>, vector<16xf32>,
        tpu.vector_store %arg7[%parallel_loop3A_301], %parallel_loop3A_298 {strides = array<i32>} : memref<32000xf32, #tpu.memory_space<vmem>>, vector<16xf32>,
      } {sc.loop_unroll_factor = 1 : i64, sc.parallel_access}
      %mul3A_104 = arith.constant 125 : i32
      %mul3A_105 = arith.muli %add3A_74, %mul3A_104 : i32
      %add3A_106 = arith.addi %mul3A_2, %mul3A_105 : i32
      %mul3A_107 = arith.constant 128 : i32
      %mul3A_108 = arith.muli %add3A_106, %mul3A_107 : i32
      %dma_start3A_109 = arith.constant 0 : i32
      %dma_start3A_110 = tpu.memref_slice %arg7[%dma_start3A_109] : memref<32000xf32, #tpu.memory_space<vmem>> -> memref<16000xf32, #tpu.memory_space<vmem>>
      %dma_start3A_111 = tpu.memref_slice %arg5[%mul3A_108] : memref<12800000xf32, #tpu.memory_space<hbm>> -> memref<16000xf32, #tpu.memory_space<hbm>>
      %dma_start3A_112 = tpu.memref_slice %arg5[%mul3A_108] : memref<12800000xf32, #tpu.memory_space<hbm>> -> memref<16000xf32, #tpu.memory_space<hbm>>
      %dma_start3A_113 = arith.constant 0 : i32
      %dma_start3A_114 = tpu.memref_slice %arg7[%dma_start3A_113] : memref<32000xf32, #tpu.memory_space<vmem>> -> memref<16000xf32, #tpu.memory_space<vmem>>
      tpu.enqueue_dma source(%dma_start3A_114 : memref<16000xf32, #tpu.memory_space<vmem>>) target(%dma_start3A_112 : memref<16000xf32, #tpu.memory_space<hbm>>) target_semaphore(%arg10 : memref<!tpu.dma_semaphore, #tpu.memory_space<semaphore_mem>>)
      %mul3A_115 = arith.constant 2 : i32
      %mul3A_116 = arith.muli %mul3A_115, %scan3A_70 : i32
      %add3A_117 = arith.constant 1 : i32
      %add3A_118 = arith.addi %mul3A_116, %add3A_117 : i32
      %add3A_119 = arith.constant 1 : i32
      %add3A_120 = arith.addi %add3A_118, %add3A_119 : i32
      %mul3A_121 = arith.constant 125 : i32
      %mul3A_122 = arith.muli %add3A_120, %mul3A_121 : i32
      %add3A_123 = arith.addi %mul3A_2, %mul3A_122 : i32
      %mul3A_124 = arith.constant 128 : i32
      %mul3A_125 = arith.muli %add3A_123, %mul3A_124 : i32
      %dma_start3A_126 = arith.constant 0 : i32
      %dma_start3A_127 = tpu.memref_slice %arg6[%dma_start3A_126] : memref<32000xf32, #tpu.memory_space<vmem>> -> memref<16000xf32, #tpu.memory_space<vmem>>
      %dma_start3A_128 = tpu.memref_slice %arg2[%mul3A_125] : memref<12800000xf32, #tpu.memory_space<hbm>> -> memref<16000xf32, #tpu.memory_space<hbm>>
      %dma_start3A_129 = arith.constant 0 : i32
      %dma_start3A_130 = tpu.memref_slice %arg6[%dma_start3A_129] : memref<32000xf32, #tpu.memory_space<vmem>> -> memref<16000xf32, #tpu.memory_space<vmem>>
      %dma_start3A_131 = tpu.memref_slice %arg2[%mul3A_125] : memref<12800000xf32, #tpu.memory_space<hbm>> -> memref<16000xf32, #tpu.memory_space<hbm>>
      tpu.enqueue_dma source(%dma_start3A_131 : memref<16000xf32, #tpu.memory_space<hbm>>) target(%dma_start3A_130 : memref<16000xf32, #tpu.memory_space<vmem>>) target_semaphore(%arg8 : memref<!tpu.dma_semaphore, #tpu.memory_space<semaphore_mem>>)
      %mul3A_132 = arith.constant 125 : i32
      %mul3A_133 = arith.muli %add3A_118, %mul3A_132 : i32
      %add3A_134 = arith.addi %mul3A_2, %mul3A_133 : i32
      %mul3A_135 = arith.constant 128 : i32
      %mul3A_136 = arith.muli %add3A_134, %mul3A_135 : i32
      %dma_wait3A_137 = arith.constant 16000 : i32
      %dma_wait3A_138 = tpu.memref_slice %arg6[%dma_wait3A_137] : memref<32000xf32, #tpu.memory_space<vmem>> -> memref<16000xf32, #tpu.memory_space<vmem>>
      %dma_wait3A_139 = tpu.memref_slice %arg2[%mul3A_136] : memref<12800000xf32, #tpu.memory_space<hbm>> -> memref<16000xf32, #tpu.memory_space<hbm>>
      %dma_wait3A_140 = arith.constant 16000 : i32
      %dma_wait3A_141 = tpu.memref_slice %arg6[%dma_wait3A_140] : memref<32000xf32, #tpu.memory_space<vmem>> -> memref<16000xf32, #tpu.memory_space<vmem>>
      %dma_wait3A_142 = tpu.memref_slice %arg2[%mul3A_136] : memref<12800000xf32, #tpu.memory_space<hbm>> -> memref<16000xf32, #tpu.memory_space<hbm>>
      tpu.wait_dma2 semaphore(%arg9 : memref<!tpu.dma_semaphore, #tpu.memory_space<semaphore_mem>>) src(%dma_wait3A_142 : memref<16000xf32, #tpu.memory_space<hbm>>) dst(%dma_wait3A_141 : memref<16000xf32, #tpu.memory_space<vmem>>)
      %ge3A_143 = arith.constant 2 : i32
      %ge3A_144 = arith.cmpi sge, %add3A_118, %ge3A_143 : i32
      %convert_element_type3A_145 = arith.extui %ge3A_144 : i1 to i32
      %cond3A_146 = arith.constant 0 : i32
      %cond3A_147 = arith.cmpi ne, %convert_element_type3A_145, %cond3A_146 : i32
      scf.if %cond3A_147 {
        %sub3A = arith.constant 2 : i32
        %sub3A_162 = arith.subi %add3A_118, %sub3A : i32
        %mul3A_163 = arith.constant 125 : i32
        %mul3A_164 = arith.muli %sub3A_162, %mul3A_163 : i32
        %add3A_165 = arith.addi %mul3A_2, %mul3A_164 : i32
        %mul3A_166 = arith.constant 128 : i32
        %mul3A_167 = arith.muli %add3A_165, %mul3A_166 : i32
        %dma_wait3A_168 = arith.constant 16000 : i32
        %dma_wait3A_169 = tpu.memref_slice %arg7[%dma_wait3A_168] : memref<32000xf32, #tpu.memory_space<vmem>> -> memref<16000xf32, #tpu.memory_space<vmem>>
        %dma_wait3A_170 = tpu.memref_slice %arg5[%mul3A_167] : memref<12800000xf32, #tpu.memory_space<hbm>> -> memref<16000xf32, #tpu.memory_space<hbm>>
        %dma_wait3A_171 = tpu.memref_slice %arg5[%mul3A_167] : memref<12800000xf32, #tpu.memory_space<hbm>> -> memref<16000xf32, #tpu.memory_space<hbm>>
        %dma_wait3A_172 = arith.constant 16000 : i32
        %dma_wait3A_173 = tpu.memref_slice %arg7[%dma_wait3A_172] : memref<32000xf32, #tpu.memory_space<vmem>> -> memref<16000xf32, #tpu.memory_space<vmem>>
        tpu.wait_dma2 semaphore(%arg11 : memref<!tpu.dma_semaphore, #tpu.memory_space<semaphore_mem>>) src(%dma_wait3A_173 : memref<16000xf32, #tpu.memory_space<vmem>>) dst(%dma_wait3A_171 : memref<16000xf32, #tpu.memory_space<hbm>>)
      } else {
      }
      %parallel_loop3A_148 = arith.constant 0 : i32
      %parallel_loop3A_149 = arith.constant 125 : i32
      %parallel_loop3A_150 = arith.constant 1 : i32
      scf.for %parallel_loop3A_162 = %parallel_loop3A_148 to %parallel_loop3A_149 step %parallel_loop3A_150  : i32 {
        %parallel_loop3A_163 = arith.constant 128 : i32
        %parallel_loop3A_164 = arith.muli %parallel_loop3A_162, %parallel_loop3A_163 : i32
        %parallel_loop3A_165 = arith.constant 16000 : i32
        %parallel_loop3A_166 = arith.addi %parallel_loop3A_165, %parallel_loop3A_164 : i32
        %parallel_loop3A_167 = arith.constant 0 : i32
        %parallel_loop3A_168 = arith.addi %parallel_loop3A_166, %parallel_loop3A_167 : i32
        %parallel_loop3A_169 = arith.index_cast %parallel_loop3A_168 : i32 to index
        %parallel_loop3A_170 = tpu.vector_load %arg6[%parallel_loop3A_169] {strides = array<i32>} : memref<32000xf32, #tpu.memory_space<vmem>>, vector<16xf32>,
        %parallel_loop3A_171 = arith.constant 16 : i32
        %parallel_loop3A_172 = arith.addi %parallel_loop3A_166, %parallel_loop3A_171 : i32
        %parallel_loop3A_173 = arith.index_cast %parallel_loop3A_172 : i32 to index
        %parallel_loop3A_174 = tpu.vector_load %arg6[%parallel_loop3A_173] {strides = array<i32>} : memref<32000xf32, #tpu.memory_space<vmem>>, vector<16xf32>,
        %parallel_loop3A_175 = arith.constant 32 : i32
        %parallel_loop3A_176 = arith.addi %parallel_loop3A_166, %parallel_loop3A_175 : i32
        %parallel_loop3A_177 = arith.index_cast %parallel_loop3A_176 : i32 to index
        %parallel_loop3A_178 = tpu.vector_load %arg6[%parallel_loop3A_177] {strides = array<i32>} : memref<32000xf32, #tpu.memory_space<vmem>>, vector<16xf32>,
        %parallel_loop3A_179 = arith.constant 48 : i32
        %parallel_loop3A_180 = arith.addi %parallel_loop3A_166, %parallel_loop3A_179 : i32
        %parallel_loop3A_181 = arith.index_cast %parallel_loop3A_180 : i32 to index
        %parallel_loop3A_182 = tpu.vector_load %arg6[%parallel_loop3A_181] {strides = array<i32>} : memref<32000xf32, #tpu.memory_space<vmem>>, vector<16xf32>,
        %parallel_loop3A_183 = arith.constant 64 : i32
        %parallel_loop3A_184 = arith.addi %parallel_loop3A_166, %parallel_loop3A_183 : i32
        %parallel_loop3A_185 = arith.index_cast %parallel_loop3A_184 : i32 to index
        %parallel_loop3A_186 = tpu.vector_load %arg6[%parallel_loop3A_185] {strides = array<i32>} : memref<32000xf32, #tpu.memory_space<vmem>>, vector<16xf32>,
        %parallel_loop3A_187 = arith.constant 80 : i32
        %parallel_loop3A_188 = arith.addi %parallel_loop3A_166, %parallel_loop3A_187 : i32
        %parallel_loop3A_189 = arith.index_cast %parallel_loop3A_188 : i32 to index
        %parallel_loop3A_190 = tpu.vector_load %arg6[%parallel_loop3A_189] {strides = array<i32>} : memref<32000xf32, #tpu.memory_space<vmem>>, vector<16xf32>,
        %parallel_loop3A_191 = arith.constant 96 : i32
        %parallel_loop3A_192 = arith.addi %parallel_loop3A_166, %parallel_loop3A_191 : i32
        %parallel_loop3A_193 = arith.index_cast %parallel_loop3A_192 : i32 to index
        %parallel_loop3A_194 = tpu.vector_load %arg6[%parallel_loop3A_193] {strides = array<i32>} : memref<32000xf32, #tpu.memory_space<vmem>>, vector<16xf32>,
        %parallel_loop3A_195 = arith.constant 112 : i32
        %parallel_loop3A_196 = arith.addi %parallel_loop3A_166, %parallel_loop3A_195 : i32
        %parallel_loop3A_197 = arith.index_cast %parallel_loop3A_196 : i32 to index
        %parallel_loop3A_198 = tpu.vector_load %arg6[%parallel_loop3A_197] {strides = array<i32>} : memref<32000xf32, #tpu.memory_space<vmem>>, vector<16xf32>,
        %parallel_loop3A_199 = arith.addf %parallel_loop3A_170, %parallel_loop3A_174 : vector<16xf32>
        %parallel_loop3A_200 = arith.addf %parallel_loop3A_178, %parallel_loop3A_182 : vector<16xf32>
        %parallel_loop3A_201 = arith.addf %parallel_loop3A_199, %parallel_loop3A_200 : vector<16xf32>
        %parallel_loop3A_202 = arith.addf %parallel_loop3A_186, %parallel_loop3A_190 : vector<16xf32>
        %parallel_loop3A_203 = arith.addf %parallel_loop3A_194, %parallel_loop3A_198 : vector<16xf32>
        %parallel_loop3A_204 = arith.addf %parallel_loop3A_202, %parallel_loop3A_203 : vector<16xf32>
        %parallel_loop3A_205 = arith.addf %parallel_loop3A_201, %parallel_loop3A_204 : vector<16xf32>
        %parallel_loop3A_206 = arith.constant true
        %parallel_loop3A_207 = vector.broadcast %parallel_loop3A_206 : i1 to vector<16xi1>
        %parallel_loop3A_208 = tpu.scan <sum>, %parallel_loop3A_205 masked %parallel_loop3A_207 : vector<16xf32>, vector<16xi1> -> vector<16xf32>
        %parallel_loop3A_209 = vector.extract %parallel_loop3A_208[15] : f32 from vector<16xf32>
        %parallel_loop3A_210 = vector.broadcast %parallel_loop3A_209 : f32 to vector<16xf32>
        %parallel_loop3A_211 = vector.broadcast %scan3A_12 : f32 to vector<16xf32>
        %parallel_loop3A_212 = arith.mulf %parallel_loop3A_210, %parallel_loop3A_211 : vector<16xf32>
        %parallel_loop3A_213 = arith.subf %parallel_loop3A_170, %parallel_loop3A_212 : vector<16xf32>
        %parallel_loop3A_214 = arith.subf %parallel_loop3A_174, %parallel_loop3A_212 : vector<16xf32>
        %parallel_loop3A_215 = arith.subf %parallel_loop3A_178, %parallel_loop3A_212 : vector<16xf32>
        %parallel_loop3A_216 = arith.subf %parallel_loop3A_182, %parallel_loop3A_212 : vector<16xf32>
        %parallel_loop3A_217 = arith.subf %parallel_loop3A_186, %parallel_loop3A_212 : vector<16xf32>
        %parallel_loop3A_218 = arith.subf %parallel_loop3A_190, %parallel_loop3A_212 : vector<16xf32>
        %parallel_loop3A_219 = arith.subf %parallel_loop3A_194, %parallel_loop3A_212 : vector<16xf32>
        %parallel_loop3A_220 = arith.subf %parallel_loop3A_198, %parallel_loop3A_212 : vector<16xf32>
        %parallel_loop3A_221 = arith.mulf %parallel_loop3A_213, %parallel_loop3A_213 : vector<16xf32>
        %parallel_loop3A_222 = arith.mulf %parallel_loop3A_214, %parallel_loop3A_214 : vector<16xf32>
        %parallel_loop3A_223 = arith.addf %parallel_loop3A_221, %parallel_loop3A_222 : vector<16xf32>
        %parallel_loop3A_224 = arith.mulf %parallel_loop3A_215, %parallel_loop3A_215 : vector<16xf32>
        %parallel_loop3A_225 = arith.mulf %parallel_loop3A_216, %parallel_loop3A_216 : vector<16xf32>
        %parallel_loop3A_226 = arith.addf %parallel_loop3A_224, %parallel_loop3A_225 : vector<16xf32>
        %parallel_loop3A_227 = arith.addf %parallel_loop3A_223, %parallel_loop3A_226 : vector<16xf32>
        %parallel_loop3A_228 = arith.mulf %parallel_loop3A_217, %parallel_loop3A_217 : vector<16xf32>
        %parallel_loop3A_229 = arith.mulf %parallel_loop3A_218, %parallel_loop3A_218 : vector<16xf32>
        %parallel_loop3A_230 = arith.addf %parallel_loop3A_228, %parallel_loop3A_229 : vector<16xf32>
        %parallel_loop3A_231 = arith.mulf %parallel_loop3A_219, %parallel_loop3A_219 : vector<16xf32>
        %parallel_loop3A_232 = arith.mulf %parallel_loop3A_220, %parallel_loop3A_220 : vector<16xf32>
        %parallel_loop3A_233 = arith.addf %parallel_loop3A_231, %parallel_loop3A_232 : vector<16xf32>
        %parallel_loop3A_234 = arith.addf %parallel_loop3A_230, %parallel_loop3A_233 : vector<16xf32>
        %parallel_loop3A_235 = arith.addf %parallel_loop3A_227, %parallel_loop3A_234 : vector<16xf32>
        %parallel_loop3A_236 = arith.constant true
        %parallel_loop3A_237 = vector.broadcast %parallel_loop3A_236 : i1 to vector<16xi1>
        %parallel_loop3A_238 = tpu.scan <sum>, %parallel_loop3A_235 masked %parallel_loop3A_237 : vector<16xf32>, vector<16xi1> -> vector<16xf32>
        %parallel_loop3A_239 = vector.extract %parallel_loop3A_238[15] : f32 from vector<16xf32>
        %parallel_loop3A_240 = vector.broadcast %parallel_loop3A_239 : f32 to vector<16xf32>
        %parallel_loop3A_241 = vector.broadcast %scan3A_12 : f32 to vector<16xf32>
        %parallel_loop3A_242 = arith.mulf %parallel_loop3A_240, %parallel_loop3A_241 : vector<16xf32>
        %parallel_loop3A_243 = arith.constant 9.99999971E-10 : f32
        %parallel_loop3A_244 = vector.broadcast %parallel_loop3A_243 : f32 to vector<16xf32>
        %parallel_loop3A_245 = arith.addf %parallel_loop3A_242, %parallel_loop3A_244 : vector<16xf32>
        %parallel_loop3A_246 = vector.bitcast %parallel_loop3A_245 : vector<16xf32> to vector<16xi32>
        %parallel_loop3A_247 = arith.constant 1 : i32
        %parallel_loop3A_248 = vector.broadcast %parallel_loop3A_247 : i32 to vector<16xi32>
        %parallel_loop3A_249 = arith.shrsi %parallel_loop3A_246, %parallel_loop3A_248 : vector<16xi32>
        %parallel_loop3A_250 = arith.constant 1597463007 : i32
        %parallel_loop3A_251 = vector.broadcast %parallel_loop3A_250 : i32 to vector<16xi32>
        %parallel_loop3A_252 = arith.subi %parallel_loop3A_251, %parallel_loop3A_249 : vector<16xi32>
        %parallel_loop3A_253 = vector.bitcast %parallel_loop3A_252 : vector<16xi32> to vector<16xf32>
        %parallel_loop3A_254 = arith.constant 5.000000e-01 : f32
        %parallel_loop3A_255 = vector.broadcast %parallel_loop3A_254 : f32 to vector<16xf32>
        %parallel_loop3A_256 = arith.mulf %parallel_loop3A_245, %parallel_loop3A_255 : vector<16xf32>
        %parallel_loop3A_257 = arith.mulf %parallel_loop3A_256, %parallel_loop3A_253 : vector<16xf32>
        %parallel_loop3A_258 = arith.mulf %parallel_loop3A_257, %parallel_loop3A_253 : vector<16xf32>
        %parallel_loop3A_259 = arith.constant 1.500000e+00 : f32
        %parallel_loop3A_260 = vector.broadcast %parallel_loop3A_259 : f32 to vector<16xf32>
        %parallel_loop3A_261 = arith.subf %parallel_loop3A_260, %parallel_loop3A_258 : vector<16xf32>
        %parallel_loop3A_262 = arith.mulf %parallel_loop3A_253, %parallel_loop3A_261 : vector<16xf32>
        %parallel_loop3A_263 = arith.mulf %parallel_loop3A_213, %parallel_loop3A_262 : vector<16xf32>
        %parallel_loop3A_264 = arith.constant 0 : i32
        %parallel_loop3A_265 = arith.addi %parallel_loop3A_166, %parallel_loop3A_264 : i32
        %parallel_loop3A_266 = arith.index_cast %parallel_loop3A_265 : i32 to index
        %parallel_loop3A_267 = tpu.vector_load %arg7[%parallel_loop3A_266] {strides = array<i32>} : memref<32000xf32, #tpu.memory_space<vmem>>, vector<16xf32>,
        tpu.vector_store %arg7[%parallel_loop3A_266], %parallel_loop3A_263 {strides = array<i32>} : memref<32000xf32, #tpu.memory_space<vmem>>, vector<16xf32>,
        %parallel_loop3A_268 = arith.mulf %parallel_loop3A_214, %parallel_loop3A_262 : vector<16xf32>
        %parallel_loop3A_269 = arith.constant 16 : i32
        %parallel_loop3A_270 = arith.addi %parallel_loop3A_166, %parallel_loop3A_269 : i32
        %parallel_loop3A_271 = arith.index_cast %parallel_loop3A_270 : i32 to index
        %parallel_loop3A_272 = tpu.vector_load %arg7[%parallel_loop3A_271] {strides = array<i32>} : memref<32000xf32, #tpu.memory_space<vmem>>, vector<16xf32>,
        tpu.vector_store %arg7[%parallel_loop3A_271], %parallel_loop3A_268 {strides = array<i32>} : memref<32000xf32, #tpu.memory_space<vmem>>, vector<16xf32>,
        %parallel_loop3A_273 = arith.mulf %parallel_loop3A_215, %parallel_loop3A_262 : vector<16xf32>
        %parallel_loop3A_274 = arith.constant 32 : i32
        %parallel_loop3A_275 = arith.addi %parallel_loop3A_166, %parallel_loop3A_274 : i32
        %parallel_loop3A_276 = arith.index_cast %parallel_loop3A_275 : i32 to index
        %parallel_loop3A_277 = tpu.vector_load %arg7[%parallel_loop3A_276] {strides = array<i32>} : memref<32000xf32, #tpu.memory_space<vmem>>, vector<16xf32>,
        tpu.vector_store %arg7[%parallel_loop3A_276], %parallel_loop3A_273 {strides = array<i32>} : memref<32000xf32, #tpu.memory_space<vmem>>, vector<16xf32>,
        %parallel_loop3A_278 = arith.mulf %parallel_loop3A_216, %parallel_loop3A_262 : vector<16xf32>
        %parallel_loop3A_279 = arith.constant 48 : i32
        %parallel_loop3A_280 = arith.addi %parallel_loop3A_166, %parallel_loop3A_279 : i32
        %parallel_loop3A_281 = arith.index_cast %parallel_loop3A_280 : i32 to index
        %parallel_loop3A_282 = tpu.vector_load %arg7[%parallel_loop3A_281] {strides = array<i32>} : memref<32000xf32, #tpu.memory_space<vmem>>, vector<16xf32>,
        tpu.vector_store %arg7[%parallel_loop3A_281], %parallel_loop3A_278 {strides = array<i32>} : memref<32000xf32, #tpu.memory_space<vmem>>, vector<16xf32>,
        %parallel_loop3A_283 = arith.mulf %parallel_loop3A_217, %parallel_loop3A_262 : vector<16xf32>
        %parallel_loop3A_284 = arith.constant 64 : i32
        %parallel_loop3A_285 = arith.addi %parallel_loop3A_166, %parallel_loop3A_284 : i32
        %parallel_loop3A_286 = arith.index_cast %parallel_loop3A_285 : i32 to index
        %parallel_loop3A_287 = tpu.vector_load %arg7[%parallel_loop3A_286] {strides = array<i32>} : memref<32000xf32, #tpu.memory_space<vmem>>, vector<16xf32>,
        tpu.vector_store %arg7[%parallel_loop3A_286], %parallel_loop3A_283 {strides = array<i32>} : memref<32000xf32, #tpu.memory_space<vmem>>, vector<16xf32>,
        %parallel_loop3A_288 = arith.mulf %parallel_loop3A_218, %parallel_loop3A_262 : vector<16xf32>
        %parallel_loop3A_289 = arith.constant 80 : i32
        %parallel_loop3A_290 = arith.addi %parallel_loop3A_166, %parallel_loop3A_289 : i32
        %parallel_loop3A_291 = arith.index_cast %parallel_loop3A_290 : i32 to index
        %parallel_loop3A_292 = tpu.vector_load %arg7[%parallel_loop3A_291] {strides = array<i32>} : memref<32000xf32, #tpu.memory_space<vmem>>, vector<16xf32>,
        tpu.vector_store %arg7[%parallel_loop3A_291], %parallel_loop3A_288 {strides = array<i32>} : memref<32000xf32, #tpu.memory_space<vmem>>, vector<16xf32>,
        %parallel_loop3A_293 = arith.mulf %parallel_loop3A_219, %parallel_loop3A_262 : vector<16xf32>
        %parallel_loop3A_294 = arith.constant 96 : i32
        %parallel_loop3A_295 = arith.addi %parallel_loop3A_166, %parallel_loop3A_294 : i32
        %parallel_loop3A_296 = arith.index_cast %parallel_loop3A_295 : i32 to index
        %parallel_loop3A_297 = tpu.vector_load %arg7[%parallel_loop3A_296] {strides = array<i32>} : memref<32000xf32, #tpu.memory_space<vmem>>, vector<16xf32>,
        tpu.vector_store %arg7[%parallel_loop3A_296], %parallel_loop3A_293 {strides = array<i32>} : memref<32000xf32, #tpu.memory_space<vmem>>, vector<16xf32>,
        %parallel_loop3A_298 = arith.mulf %parallel_loop3A_220, %parallel_loop3A_262 : vector<16xf32>
        %parallel_loop3A_299 = arith.constant 112 : i32
        %parallel_loop3A_300 = arith.addi %parallel_loop3A_166, %parallel_loop3A_299 : i32
        %parallel_loop3A_301 = arith.index_cast %parallel_loop3A_300 : i32 to index
        %parallel_loop3A_302 = tpu.vector_load %arg7[%parallel_loop3A_301] {strides = array<i32>} : memref<32000xf32, #tpu.memory_space<vmem>>, vector<16xf32>,
        tpu.vector_store %arg7[%parallel_loop3A_301], %parallel_loop3A_298 {strides = array<i32>} : memref<32000xf32, #tpu.memory_space<vmem>>, vector<16xf32>,
      } {sc.loop_unroll_factor = 1 : i64, sc.parallel_access}
      %mul3A_151 = arith.constant 125 : i32
      %mul3A_152 = arith.muli %add3A_118, %mul3A_151 : i32
      %add3A_153 = arith.addi %mul3A_2, %mul3A_152 : i32
      %mul3A_154 = arith.constant 128 : i32
      %mul3A_155 = arith.muli %add3A_153, %mul3A_154 : i32
      %dma_start3A_156 = arith.constant 16000 : i32
      %dma_start3A_157 = tpu.memref_slice %arg7[%dma_start3A_156] : memref<32000xf32, #tpu.memory_space<vmem>> -> memref<16000xf32, #tpu.memory_space<vmem>>
      %dma_start3A_158 = tpu.memref_slice %arg5[%mul3A_155] : memref<12800000xf32, #tpu.memory_space<hbm>> -> memref<16000xf32, #tpu.memory_space<hbm>>
      %dma_start3A_159 = tpu.memref_slice %arg5[%mul3A_155] : memref<12800000xf32, #tpu.memory_space<hbm>> -> memref<16000xf32, #tpu.memory_space<hbm>>
      %dma_start3A_160 = arith.constant 16000 : i32
      %dma_start3A_161 = tpu.memref_slice %arg7[%dma_start3A_160] : memref<32000xf32, #tpu.memory_space<vmem>> -> memref<16000xf32, #tpu.memory_space<vmem>>
      tpu.enqueue_dma source(%dma_start3A_161 : memref<16000xf32, #tpu.memory_space<vmem>>) target(%dma_start3A_159 : memref<16000xf32, #tpu.memory_space<hbm>>) target_semaphore(%arg11 : memref<!tpu.dma_semaphore, #tpu.memory_space<semaphore_mem>>)
    }
    %scan3A_17 = arith.constant 12 : i32
    %add3A_18 = arith.constant 3000 : i32
    %add3A_19 = arith.addi %mul3A_2, %add3A_18 : i32
    %mul3A_20 = arith.constant 128 : i32
    %mul3A_21 = arith.muli %add3A_19, %mul3A_20 : i32
    %dma_wait3A = arith.constant 0 : i32
    %dma_wait3A_22 = tpu.memref_slice %arg6[%dma_wait3A] : memref<32000xf32, #tpu.memory_space<vmem>> -> memref<16000xf32, #tpu.memory_space<vmem>>
    %dma_wait3A_23 = tpu.memref_slice %arg2[%mul3A_21] : memref<12800000xf32, #tpu.memory_space<hbm>> -> memref<16000xf32, #tpu.memory_space<hbm>>
    %dma_wait3A_24 = arith.constant 0 : i32
    %dma_wait3A_25 = tpu.memref_slice %arg6[%dma_wait3A_24] : memref<32000xf32, #tpu.memory_space<vmem>> -> memref<16000xf32, #tpu.memory_space<vmem>>
    %dma_wait3A_26 = tpu.memref_slice %arg2[%mul3A_21] : memref<12800000xf32, #tpu.memory_space<hbm>> -> memref<16000xf32, #tpu.memory_space<hbm>>
    tpu.wait_dma2 semaphore(%arg8 : memref<!tpu.dma_semaphore, #tpu.memory_space<semaphore_mem>>) src(%dma_wait3A_26 : memref<16000xf32, #tpu.memory_space<hbm>>) dst(%dma_wait3A_25 : memref<16000xf32, #tpu.memory_space<vmem>>)
    %add3A_27 = arith.constant 2750 : i32
    %add3A_28 = arith.addi %mul3A_2, %add3A_27 : i32
    %mul3A_29 = arith.constant 128 : i32
    %mul3A_30 = arith.muli %add3A_28, %mul3A_29 : i32
    %dma_wait3A_31 = arith.constant 0 : i32
    %dma_wait3A_32 = tpu.memref_slice %arg7[%dma_wait3A_31] : memref<32000xf32, #tpu.memory_space<vmem>> -> memref<16000xf32, #tpu.memory_space<vmem>>
    %dma_wait3A_33 = tpu.memref_slice %arg5[%mul3A_30] : memref<12800000xf32, #tpu.memory_space<hbm>> -> memref<16000xf32, #tpu.memory_space<hbm>>
    %dma_wait3A_34 = tpu.memref_slice %arg5[%mul3A_30] : memref<12800000xf32, #tpu.memory_space<hbm>> -> memref<16000xf32, #tpu.memory_space<hbm>>
    %dma_wait3A_35 = arith.constant 0 : i32
    %dma_wait3A_36 = tpu.memref_slice %arg7[%dma_wait3A_35] : memref<32000xf32, #tpu.memory_space<vmem>> -> memref<16000xf32, #tpu.memory_space<vmem>>
    tpu.wait_dma2 semaphore(%arg10 : memref<!tpu.dma_semaphore, #tpu.memory_space<semaphore_mem>>) src(%dma_wait3A_36 : memref<16000xf32, #tpu.memory_space<vmem>>) dst(%dma_wait3A_34 : memref<16000xf32, #tpu.memory_space<hbm>>)
    %parallel_loop3A = arith.constant 0 : i32
    %parallel_loop3A_37 = arith.constant 125 : i32
    %parallel_loop3A_38 = arith.constant 1 : i32
    %parallel_loop3A_39 = arith.constant 7.812500e-03 : f32
    scf.for %parallel_loop3A_70 = %parallel_loop3A to %parallel_loop3A_37 step %parallel_loop3A_38  : i32 {
      %parallel_loop3A_71 = arith.constant 128 : i32
      %parallel_loop3A_72 = arith.muli %parallel_loop3A_70, %parallel_loop3A_71 : i32
      %parallel_loop3A_73 = arith.constant 0 : i32
      %parallel_loop3A_74 = arith.addi %parallel_loop3A_73, %parallel_loop3A_72 : i32
      %parallel_loop3A_75 = arith.constant 0 : i32
      %parallel_loop3A_76 = arith.addi %parallel_loop3A_74, %parallel_loop3A_75 : i32
      %parallel_loop3A_77 = arith.index_cast %parallel_loop3A_76 : i32 to index
      %parallel_loop3A_78 = tpu.vector_load %arg6[%parallel_loop3A_77] {strides = array<i32>} : memref<32000xf32, #tpu.memory_space<vmem>>, vector<16xf32>,
      %parallel_loop3A_79 = arith.constant 16 : i32
      %parallel_loop3A_80 = arith.addi %parallel_loop3A_74, %parallel_loop3A_79 : i32
      %parallel_loop3A_81 = arith.index_cast %parallel_loop3A_80 : i32 to index
      %parallel_loop3A_82 = tpu.vector_load %arg6[%parallel_loop3A_81] {strides = array<i32>} : memref<32000xf32, #tpu.memory_space<vmem>>, vector<16xf32>,
      %parallel_loop3A_83 = arith.constant 32 : i32
      %parallel_loop3A_84 = arith.addi %parallel_loop3A_74, %parallel_loop3A_83 : i32
      %parallel_loop3A_85 = arith.index_cast %parallel_loop3A_84 : i32 to index
      %parallel_loop3A_86 = tpu.vector_load %arg6[%parallel_loop3A_85] {strides = array<i32>} : memref<32000xf32, #tpu.memory_space<vmem>>, vector<16xf32>,
      %parallel_loop3A_87 = arith.constant 48 : i32
      %parallel_loop3A_88 = arith.addi %parallel_loop3A_74, %parallel_loop3A_87 : i32
      %parallel_loop3A_89 = arith.index_cast %parallel_loop3A_88 : i32 to index
      %parallel_loop3A_90 = tpu.vector_load %arg6[%parallel_loop3A_89] {strides = array<i32>} : memref<32000xf32, #tpu.memory_space<vmem>>, vector<16xf32>,
      %parallel_loop3A_91 = arith.constant 64 : i32
      %parallel_loop3A_92 = arith.addi %parallel_loop3A_74, %parallel_loop3A_91 : i32
      %parallel_loop3A_93 = arith.index_cast %parallel_loop3A_92 : i32 to index
      %parallel_loop3A_94 = tpu.vector_load %arg6[%parallel_loop3A_93] {strides = array<i32>} : memref<32000xf32, #tpu.memory_space<vmem>>, vector<16xf32>,
      %parallel_loop3A_95 = arith.constant 80 : i32
      %parallel_loop3A_96 = arith.addi %parallel_loop3A_74, %parallel_loop3A_95 : i32
      %parallel_loop3A_97 = arith.index_cast %parallel_loop3A_96 : i32 to index
      %parallel_loop3A_98 = tpu.vector_load %arg6[%parallel_loop3A_97] {strides = array<i32>} : memref<32000xf32, #tpu.memory_space<vmem>>, vector<16xf32>,
      %parallel_loop3A_99 = arith.constant 96 : i32
      %parallel_loop3A_100 = arith.addi %parallel_loop3A_74, %parallel_loop3A_99 : i32
      %parallel_loop3A_101 = arith.index_cast %parallel_loop3A_100 : i32 to index
      %parallel_loop3A_102 = tpu.vector_load %arg6[%parallel_loop3A_101] {strides = array<i32>} : memref<32000xf32, #tpu.memory_space<vmem>>, vector<16xf32>,
      %parallel_loop3A_103 = arith.constant 112 : i32
      %parallel_loop3A_104 = arith.addi %parallel_loop3A_74, %parallel_loop3A_103 : i32
      %parallel_loop3A_105 = arith.index_cast %parallel_loop3A_104 : i32 to index
      %parallel_loop3A_106 = tpu.vector_load %arg6[%parallel_loop3A_105] {strides = array<i32>} : memref<32000xf32, #tpu.memory_space<vmem>>, vector<16xf32>,
      %parallel_loop3A_107 = arith.addf %parallel_loop3A_78, %parallel_loop3A_82 : vector<16xf32>
      %parallel_loop3A_108 = arith.addf %parallel_loop3A_86, %parallel_loop3A_90 : vector<16xf32>
      %parallel_loop3A_109 = arith.addf %parallel_loop3A_107, %parallel_loop3A_108 : vector<16xf32>
      %parallel_loop3A_110 = arith.addf %parallel_loop3A_94, %parallel_loop3A_98 : vector<16xf32>
      %parallel_loop3A_111 = arith.addf %parallel_loop3A_102, %parallel_loop3A_106 : vector<16xf32>
      %parallel_loop3A_112 = arith.addf %parallel_loop3A_110, %parallel_loop3A_111 : vector<16xf32>
      %parallel_loop3A_113 = arith.addf %parallel_loop3A_109, %parallel_loop3A_112 : vector<16xf32>
      %parallel_loop3A_114 = arith.constant true
      %parallel_loop3A_115 = vector.broadcast %parallel_loop3A_114 : i1 to vector<16xi1>
      %parallel_loop3A_116 = tpu.scan <sum>, %parallel_loop3A_113 masked %parallel_loop3A_115 : vector<16xf32>, vector<16xi1> -> vector<16xf32>
      %parallel_loop3A_117 = vector.extract %parallel_loop3A_116[15] : f32 from vector<16xf32>
      %parallel_loop3A_118 = vector.broadcast %parallel_loop3A_117 : f32 to vector<16xf32>
      %parallel_loop3A_119 = vector.broadcast %parallel_loop3A_39 : f32 to vector<16xf32>
      %parallel_loop3A_120 = arith.mulf %parallel_loop3A_118, %parallel_loop3A_119 : vector<16xf32>
      %parallel_loop3A_121 = arith.subf %parallel_loop3A_78, %parallel_loop3A_120 : vector<16xf32>
      %parallel_loop3A_122 = arith.subf %parallel_loop3A_82, %parallel_loop3A_120 : vector<16xf32>
      %parallel_loop3A_123 = arith.subf %parallel_loop3A_86, %parallel_loop3A_120 : vector<16xf32>
      %parallel_loop3A_124 = arith.subf %parallel_loop3A_90, %parallel_loop3A_120 : vector<16xf32>
      %parallel_loop3A_125 = arith.subf %parallel_loop3A_94, %parallel_loop3A_120 : vector<16xf32>
      %parallel_loop3A_126 = arith.subf %parallel_loop3A_98, %parallel_loop3A_120 : vector<16xf32>
      %parallel_loop3A_127 = arith.subf %parallel_loop3A_102, %parallel_loop3A_120 : vector<16xf32>
      %parallel_loop3A_128 = arith.subf %parallel_loop3A_106, %parallel_loop3A_120 : vector<16xf32>
      %parallel_loop3A_129 = arith.mulf %parallel_loop3A_121, %parallel_loop3A_121 : vector<16xf32>
      %parallel_loop3A_130 = arith.mulf %parallel_loop3A_122, %parallel_loop3A_122 : vector<16xf32>
      %parallel_loop3A_131 = arith.addf %parallel_loop3A_129, %parallel_loop3A_130 : vector<16xf32>
      %parallel_loop3A_132 = arith.mulf %parallel_loop3A_123, %parallel_loop3A_123 : vector<16xf32>
      %parallel_loop3A_133 = arith.mulf %parallel_loop3A_124, %parallel_loop3A_124 : vector<16xf32>
      %parallel_loop3A_134 = arith.addf %parallel_loop3A_132, %parallel_loop3A_133 : vector<16xf32>
      %parallel_loop3A_135 = arith.addf %parallel_loop3A_131, %parallel_loop3A_134 : vector<16xf32>
      %parallel_loop3A_136 = arith.mulf %parallel_loop3A_125, %parallel_loop3A_125 : vector<16xf32>
      %parallel_loop3A_137 = arith.mulf %parallel_loop3A_126, %parallel_loop3A_126 : vector<16xf32>
      %parallel_loop3A_138 = arith.addf %parallel_loop3A_136, %parallel_loop3A_137 : vector<16xf32>
      %parallel_loop3A_139 = arith.mulf %parallel_loop3A_127, %parallel_loop3A_127 : vector<16xf32>
      %parallel_loop3A_140 = arith.mulf %parallel_loop3A_128, %parallel_loop3A_128 : vector<16xf32>
      %parallel_loop3A_141 = arith.addf %parallel_loop3A_139, %parallel_loop3A_140 : vector<16xf32>
      %parallel_loop3A_142 = arith.addf %parallel_loop3A_138, %parallel_loop3A_141 : vector<16xf32>
      %parallel_loop3A_143 = arith.addf %parallel_loop3A_135, %parallel_loop3A_142 : vector<16xf32>
      %parallel_loop3A_144 = arith.constant true
      %parallel_loop3A_145 = vector.broadcast %parallel_loop3A_144 : i1 to vector<16xi1>
      %parallel_loop3A_146 = tpu.scan <sum>, %parallel_loop3A_143 masked %parallel_loop3A_145 : vector<16xf32>, vector<16xi1> -> vector<16xf32>
      %parallel_loop3A_147 = vector.extract %parallel_loop3A_146[15] : f32 from vector<16xf32>
      %parallel_loop3A_148 = vector.broadcast %parallel_loop3A_147 : f32 to vector<16xf32>
      %parallel_loop3A_149 = vector.broadcast %parallel_loop3A_39 : f32 to vector<16xf32>
      %parallel_loop3A_150 = arith.mulf %parallel_loop3A_148, %parallel_loop3A_149 : vector<16xf32>
      %parallel_loop3A_151 = arith.constant 9.99999971E-10 : f32
      %parallel_loop3A_152 = vector.broadcast %parallel_loop3A_151 : f32 to vector<16xf32>
      %parallel_loop3A_153 = arith.addf %parallel_loop3A_150, %parallel_loop3A_152 : vector<16xf32>
      %parallel_loop3A_154 = vector.bitcast %parallel_loop3A_153 : vector<16xf32> to vector<16xi32>
      %parallel_loop3A_155 = arith.constant 1 : i32
      %parallel_loop3A_156 = vector.broadcast %parallel_loop3A_155 : i32 to vector<16xi32>
      %parallel_loop3A_157 = arith.shrsi %parallel_loop3A_154, %parallel_loop3A_156 : vector<16xi32>
      %parallel_loop3A_158 = arith.constant 1597463007 : i32
      %parallel_loop3A_159 = vector.broadcast %parallel_loop3A_158 : i32 to vector<16xi32>
      %parallel_loop3A_160 = arith.subi %parallel_loop3A_159, %parallel_loop3A_157 : vector<16xi32>
      %parallel_loop3A_161 = vector.bitcast %parallel_loop3A_160 : vector<16xi32> to vector<16xf32>
      %parallel_loop3A_162 = arith.constant 5.000000e-01 : f32
      %parallel_loop3A_163 = vector.broadcast %parallel_loop3A_162 : f32 to vector<16xf32>
      %parallel_loop3A_164 = arith.mulf %parallel_loop3A_153, %parallel_loop3A_163 : vector<16xf32>
      %parallel_loop3A_165 = arith.mulf %parallel_loop3A_164, %parallel_loop3A_161 : vector<16xf32>
      %parallel_loop3A_166 = arith.mulf %parallel_loop3A_165, %parallel_loop3A_161 : vector<16xf32>
      %parallel_loop3A_167 = arith.constant 1.500000e+00 : f32
      %parallel_loop3A_168 = vector.broadcast %parallel_loop3A_167 : f32 to vector<16xf32>
      %parallel_loop3A_169 = arith.subf %parallel_loop3A_168, %parallel_loop3A_166 : vector<16xf32>
      %parallel_loop3A_170 = arith.mulf %parallel_loop3A_161, %parallel_loop3A_169 : vector<16xf32>
      %parallel_loop3A_171 = arith.mulf %parallel_loop3A_121, %parallel_loop3A_170 : vector<16xf32>
      %parallel_loop3A_172 = arith.constant 0 : i32
      %parallel_loop3A_173 = arith.addi %parallel_loop3A_74, %parallel_loop3A_172 : i32
      %parallel_loop3A_174 = arith.index_cast %parallel_loop3A_173 : i32 to index
      %parallel_loop3A_175 = tpu.vector_load %arg7[%parallel_loop3A_174] {strides = array<i32>} : memref<32000xf32, #tpu.memory_space<vmem>>, vector<16xf32>,
      tpu.vector_store %arg7[%parallel_loop3A_174], %parallel_loop3A_171 {strides = array<i32>} : memref<32000xf32, #tpu.memory_space<vmem>>, vector<16xf32>,
      %parallel_loop3A_176 = arith.mulf %parallel_loop3A_122, %parallel_loop3A_170 : vector<16xf32>
      %parallel_loop3A_177 = arith.constant 16 : i32
      %parallel_loop3A_178 = arith.addi %parallel_loop3A_74, %parallel_loop3A_177 : i32
      %parallel_loop3A_179 = arith.index_cast %parallel_loop3A_178 : i32 to index
      %parallel_loop3A_180 = tpu.vector_load %arg7[%parallel_loop3A_179] {strides = array<i32>} : memref<32000xf32, #tpu.memory_space<vmem>>, vector<16xf32>,
      tpu.vector_store %arg7[%parallel_loop3A_179], %parallel_loop3A_176 {strides = array<i32>} : memref<32000xf32, #tpu.memory_space<vmem>>, vector<16xf32>,
      %parallel_loop3A_181 = arith.mulf %parallel_loop3A_123, %parallel_loop3A_170 : vector<16xf32>
      %parallel_loop3A_182 = arith.constant 32 : i32
      %parallel_loop3A_183 = arith.addi %parallel_loop3A_74, %parallel_loop3A_182 : i32
      %parallel_loop3A_184 = arith.index_cast %parallel_loop3A_183 : i32 to index
      %parallel_loop3A_185 = tpu.vector_load %arg7[%parallel_loop3A_184] {strides = array<i32>} : memref<32000xf32, #tpu.memory_space<vmem>>, vector<16xf32>,
      tpu.vector_store %arg7[%parallel_loop3A_184], %parallel_loop3A_181 {strides = array<i32>} : memref<32000xf32, #tpu.memory_space<vmem>>, vector<16xf32>,
      %parallel_loop3A_186 = arith.mulf %parallel_loop3A_124, %parallel_loop3A_170 : vector<16xf32>
      %parallel_loop3A_187 = arith.constant 48 : i32
      %parallel_loop3A_188 = arith.addi %parallel_loop3A_74, %parallel_loop3A_187 : i32
      %parallel_loop3A_189 = arith.index_cast %parallel_loop3A_188 : i32 to index
      %parallel_loop3A_190 = tpu.vector_load %arg7[%parallel_loop3A_189] {strides = array<i32>} : memref<32000xf32, #tpu.memory_space<vmem>>, vector<16xf32>,
      tpu.vector_store %arg7[%parallel_loop3A_189], %parallel_loop3A_186 {strides = array<i32>} : memref<32000xf32, #tpu.memory_space<vmem>>, vector<16xf32>,
      %parallel_loop3A_191 = arith.mulf %parallel_loop3A_125, %parallel_loop3A_170 : vector<16xf32>
      %parallel_loop3A_192 = arith.constant 64 : i32
      %parallel_loop3A_193 = arith.addi %parallel_loop3A_74, %parallel_loop3A_192 : i32
      %parallel_loop3A_194 = arith.index_cast %parallel_loop3A_193 : i32 to index
      %parallel_loop3A_195 = tpu.vector_load %arg7[%parallel_loop3A_194] {strides = array<i32>} : memref<32000xf32, #tpu.memory_space<vmem>>, vector<16xf32>,
      tpu.vector_store %arg7[%parallel_loop3A_194], %parallel_loop3A_191 {strides = array<i32>} : memref<32000xf32, #tpu.memory_space<vmem>>, vector<16xf32>,
      %parallel_loop3A_196 = arith.mulf %parallel_loop3A_126, %parallel_loop3A_170 : vector<16xf32>
      %parallel_loop3A_197 = arith.constant 80 : i32
      %parallel_loop3A_198 = arith.addi %parallel_loop3A_74, %parallel_loop3A_197 : i32
      %parallel_loop3A_199 = arith.index_cast %parallel_loop3A_198 : i32 to index
      %parallel_loop3A_200 = tpu.vector_load %arg7[%parallel_loop3A_199] {strides = array<i32>} : memref<32000xf32, #tpu.memory_space<vmem>>, vector<16xf32>,
      tpu.vector_store %arg7[%parallel_loop3A_199], %parallel_loop3A_196 {strides = array<i32>} : memref<32000xf32, #tpu.memory_space<vmem>>, vector<16xf32>,
      %parallel_loop3A_201 = arith.mulf %parallel_loop3A_127, %parallel_loop3A_170 : vector<16xf32>
      %parallel_loop3A_202 = arith.constant 96 : i32
      %parallel_loop3A_203 = arith.addi %parallel_loop3A_74, %parallel_loop3A_202 : i32
      %parallel_loop3A_204 = arith.index_cast %parallel_loop3A_203 : i32 to index
      %parallel_loop3A_205 = tpu.vector_load %arg7[%parallel_loop3A_204] {strides = array<i32>} : memref<32000xf32, #tpu.memory_space<vmem>>, vector<16xf32>,
      tpu.vector_store %arg7[%parallel_loop3A_204], %parallel_loop3A_201 {strides = array<i32>} : memref<32000xf32, #tpu.memory_space<vmem>>, vector<16xf32>,
      %parallel_loop3A_206 = arith.mulf %parallel_loop3A_128, %parallel_loop3A_170 : vector<16xf32>
      %parallel_loop3A_207 = arith.constant 112 : i32
      %parallel_loop3A_208 = arith.addi %parallel_loop3A_74, %parallel_loop3A_207 : i32
      %parallel_loop3A_209 = arith.index_cast %parallel_loop3A_208 : i32 to index
      %parallel_loop3A_210 = tpu.vector_load %arg7[%parallel_loop3A_209] {strides = array<i32>} : memref<32000xf32, #tpu.memory_space<vmem>>, vector<16xf32>,
      tpu.vector_store %arg7[%parallel_loop3A_209], %parallel_loop3A_206 {strides = array<i32>} : memref<32000xf32, #tpu.memory_space<vmem>>, vector<16xf32>,
    } {sc.loop_unroll_factor = 1 : i64, sc.parallel_access}
    %add3A_40 = arith.constant 3000 : i32
    %add3A_41 = arith.addi %mul3A_2, %add3A_40 : i32
    %mul3A_42 = arith.constant 128 : i32
    %mul3A_43 = arith.muli %add3A_41, %mul3A_42 : i32
    %dma_start3A_44 = arith.constant 0 : i32
    %dma_start3A_45 = tpu.memref_slice %arg7[%dma_start3A_44] : memref<32000xf32, #tpu.memory_space<vmem>> -> memref<16000xf32, #tpu.memory_space<vmem>>
    %dma_start3A_46 = tpu.memref_slice %arg5[%mul3A_43] : memref<12800000xf32, #tpu.memory_space<hbm>> -> memref<16000xf32, #tpu.memory_space<hbm>>
    %dma_start3A_47 = tpu.memref_slice %arg5[%mul3A_43] : memref<12800000xf32, #tpu.memory_space<hbm>> -> memref<16000xf32, #tpu.memory_space<hbm>>
    %dma_start3A_48 = arith.constant 0 : i32
    %dma_start3A_49 = tpu.memref_slice %arg7[%dma_start3A_48] : memref<32000xf32, #tpu.memory_space<vmem>> -> memref<16000xf32, #tpu.memory_space<vmem>>
    tpu.enqueue_dma source(%dma_start3A_49 : memref<16000xf32, #tpu.memory_space<vmem>>) target(%dma_start3A_47 : memref<16000xf32, #tpu.memory_space<hbm>>) target_semaphore(%arg10 : memref<!tpu.dma_semaphore, #tpu.memory_space<semaphore_mem>>)
    %add3A_50 = arith.constant 2875 : i32
    %add3A_51 = arith.addi %mul3A_2, %add3A_50 : i32
    %mul3A_52 = arith.constant 128 : i32
    %mul3A_53 = arith.muli %add3A_51, %mul3A_52 : i32
    %dma_wait3A_54 = arith.constant 16000 : i32
    %dma_wait3A_55 = tpu.memref_slice %arg7[%dma_wait3A_54] : memref<32000xf32, #tpu.memory_space<vmem>> -> memref<16000xf32, #tpu.memory_space<vmem>>
    %dma_wait3A_56 = tpu.memref_slice %arg5[%mul3A_53] : memref<12800000xf32, #tpu.memory_space<hbm>> -> memref<16000xf32, #tpu.memory_space<hbm>>
    %dma_wait3A_57 = tpu.memref_slice %arg5[%mul3A_53] : memref<12800000xf32, #tpu.memory_space<hbm>> -> memref<16000xf32, #tpu.memory_space<hbm>>
    %dma_wait3A_58 = arith.constant 16000 : i32
    %dma_wait3A_59 = tpu.memref_slice %arg7[%dma_wait3A_58] : memref<32000xf32, #tpu.memory_space<vmem>> -> memref<16000xf32, #tpu.memory_space<vmem>>
    tpu.wait_dma2 semaphore(%arg11 : memref<!tpu.dma_semaphore, #tpu.memory_space<semaphore_mem>>) src(%dma_wait3A_59 : memref<16000xf32, #tpu.memory_space<vmem>>) dst(%dma_wait3A_57 : memref<16000xf32, #tpu.memory_space<hbm>>)
    %add3A_60 = arith.constant 3000 : i32
    %add3A_61 = arith.addi %mul3A_2, %add3A_60 : i32
    %mul3A_62 = arith.constant 128 : i32
    %mul3A_63 = arith.muli %add3A_61, %mul3A_62 : i32
    %dma_wait3A_64 = arith.constant 0 : i32
    %dma_wait3A_65 = tpu.memref_slice %arg7[%dma_wait3A_64] : memref<32000xf32, #tpu.memory_space<vmem>> -> memref<16000xf32, #tpu.memory_space<vmem>>
    %dma_wait3A_66 = tpu.memref_slice %arg5[%mul3A_63] : memref<12800000xf32, #tpu.memory_space<hbm>> -> memref<16000xf32, #tpu.memory_space<hbm>>
    %dma_wait3A_67 = tpu.memref_slice %arg5[%mul3A_63] : memref<12800000xf32, #tpu.memory_space<hbm>> -> memref<16000xf32, #tpu.memory_space<hbm>>
    %dma_wait3A_68 = arith.constant 0 : i32
    %dma_wait3A_69 = tpu.memref_slice %arg7[%dma_wait3A_68] : memref<32000xf32, #tpu.memory_space<vmem>> -> memref<16000xf32, #tpu.memory_space<vmem>>
    tpu.wait_dma2 semaphore(%arg10 : memref<!tpu.dma_semaphore, #tpu.memory_space<semaphore_mem>>) src(%dma_wait3A_69 : memref<16000xf32, #tpu.memory_space<vmem>>) dst(%dma_wait3A_67 : memref<16000xf32, #tpu.memory_space<hbm>>)
    return
  }
}

</mosaic_0001>

<sc_bundles>
// kernel: _norm.3.cloned.1.call-start
scs
__scs_entry_jumppad:
0x0: {  	(pc) =	sbr.rel $0x88, $3  }
0x1: {  	(tag) =	ssettag $0x0;
	lr =	simm.s32 $0x1  }
0x2: {  	[smem:$0x3F9E] =	sst lr;
	_ =	strace $0xD0000000  }
0x3: {  	_ = 	snop  }
0x4: {  	_ = 	snop  }
0x5: {  	_ = 	snop  }
0x6: {  	_ = 	snop  }
0x7: {  	_ = 	snop  }
__scs_overlays_trampoline_lowered:
0x8: {  	[smem:$0x3FAD] =	sst s0  }
0x9: {  	[smem:$0x3FAE] =	sst s1  }
0xa: {  	[smem:$0x3FAF] =	sst s2  }
0xb: {  	[smem:$0x3FB0] =	sst s3  }
0xc: {  	[smem:$0x3FB1] =	sst s4  }
0xd: {  	[smem:$0x3FB2] =	sst s5  }
0xe: {  	[smem:$0x3FB3] =	sst s6  }
0xf: {  	[smem:$0x3FB4] =	sst s7  }
0x10: {  	[smem:$0x3FB5] =	sst s8  }
0x11: {  	[smem:$0x3FB6] =	sst s9;
	s0 =	simm.s32 @!p0 $0x0  }
0x12: {  	s1 =	sld [smem:$0x3F9C];
	s0 =	simm.s32 @p0 $0x1  }
0x13: {  	[smem:$0x3FB7] =	sst s0;
	s0 =	simm.s32 @!p1 $0x0  }
0x14: {  	s2 =	sld [smem:$0x3F9B];
	s0 =	simm.s32 @p1 $0x1  }
0x15: {  	[smem:$0x3FB8] =	sst s0;
	s0 =	simm.s32 @!p2 $0x0  }
0x16: {  	s3 =	sld [smem:$0x3FDB];
	s0 =	simm.s32 @p2 $0x1  }
0x17: {  	s4 =	simm.s32 $0x1BF5;
	[smem:$0x3FBA] =	sst s0  }
0x18: {  	s0 =	sld [smem:$0x3F9D];
	_ =	swait.ge [sflag:s4], $0x0  }
0x19: {  	s7 =	sld [smem:$0x3F9E]  }
0x1a: {  	s8 =	sadd.s32 $0xFFFFE003, lr  }
0x1b: {  	s9 =	sadd.s32 $0xFFFFFEF7, lr;
	s5 =	simm.s32 $0xFFFFFFFF;
	p2 =	slt.u32 s8, $0xFFFFF086  }
0x1c: {  	p1 =	slt.u32 s9, $0xF7A;
	s5 =	simm.s32 @!p2 $0x0  }
0x1d: {  	s5 =	simm.s32 @p1 $0x1;
	p0 =	seq.s32 s7, s2  }
0x1e: {  	s7 =	smul.u32 @!p0 $0xF7A, s2;
	p2 =	seq.s32 @!p0 s5, $0x0  }
0x1f: {  	s9 =	smul.u32 $0xF7A, s1;
	s8 =	simm.s32 @!p0 $0x1BF5;
	p2 =	por !p2, p0  }
0x20: {  	[sflag:s8] =	ssyncset.s32 @!p0 $0xFFFFF086;
	s6 =	sadd.s32 @!p0 s3, s7;
	s7 =	simm.s32 @!p0 $0x108  }
0x21: {  	s3 =	sadd.s32 s3, s9;
	s6 =	sadd.s32 @!p0 $0x88, s6;
	s7 =	simm.s32 @p2 $0x1082  }
0x22: {  	[simem:s7], [sflag:s8] =	dma.local @!p0 [hbm:s6], $0xF7A  }
0x23: {  	s9 =	sor.u32 $0xD0000000, s2;
	s6 =	simm.s32 $0x108;
	_ =	swait.ge @!p0 [sflag:s8], $0x0  }
0x24: {  	s3 =	sadd.s32 $0x88, s3;
	s6 =	simm.s32 @!p1 $0x1082;
	[sflag:s4] =	ssyncset.s32 $0xFFFFF086  }
0x25: {  	[simem:s6], [sflag:s4] =	dma.local [hbm:s3], $0xF7A  }
0x26: {  	[smem:$0x3F9E] =	sst s1;
	(tag) =	ssettag s2;
	_ =	strace s9  }
0x27: {  	s1 =	sld [smem:$0x3FAE]  }
0x28: {  	s2 =	sld [smem:$0x3FAF]  }
0x29: {  	s4 =	sld [smem:$0x3FB1]  }
0x2a: {  	p0 =	seq.s32 s5, $0x0;
	s5 =	sld [smem:$0x3FB2]  }
0x2b: {  	s6 =	sld [smem:$0x3FB3]  }
0x2c: {  	s7 =	sld [smem:$0x3FB4]  }
0x2d: {  	s3 =	simm.s32 $0x108;
	s8 =	sld [smem:$0x3FB5]  }
0x2e: {  	s3 =	simm.s32 @!p0 $0x1082;
	s9 =	sld [smem:$0x3FB6]  }
0x2f: {  	lr =	sadd.s32 s0, s3;
	s0 =	sld [smem:$0x3FAD]  }
0x30: {  	s3 =	sld [smem:$0x3FB0]  }
0x31: {  	[smem:$0x3FB9] =	sst s10  }
0x32: {  	s10 =	sld [smem:$0x3FB7];
	_ =	sdelay $0x3  }
0x33: {  	p0 =	seq.s32 s10, $0x1;
	s10 =	sld [smem:$0x3FB9];
	_ =	sdelay $0x3  }
0x34: {  	[smem:$0x3FB9] =	sst s10  }
0x35: {  	s10 =	sld [smem:$0x3FB8];
	_ =	sdelay $0x3  }
0x36: {  	p1 =	seq.s32 s10, $0x1;
	s10 =	sld [smem:$0x3FB9];
	_ =	sdelay $0x3  }
0x37: {  	[smem:$0x3FB9] =	sst s10  }
0x38: {  	s10 =	sld [smem:$0x3FBA]  }
0x39: {  	_ = 	snop;
	(pc) =	sbr.ind lr, $3  }
0x3a: {  	_ = 	snop  }
0x3b: {  	_ = 	snop  }
0x3c: {  	p2 =	seq.s32 s10, $0x1;
	s10 =	sld [smem:$0x3FB9]  }
0x3d: {  	_ =	shalt  }
0x3e: {  	_ =	shalt  }
0x3f: {  	_ =	shalt  }
0x40: {  	_ =	shalt  }
0x41: {  	_ =	shalt  }
0x42: {  	_ =	shalt  }
0x43: {  	_ =	shalt  }
0x44: {  	_ =	shalt  }
0x45: {  	_ =	shalt  }
0x46: {  	_ =	shalt  }
0x47: {  	_ =	shalt  }
0x48: {  	_ =	shalt  }
0x49: {  	_ =	shalt  }
0x4a: {  	_ =	shalt  }
0x4b: {  	_ =	shalt  }
0x4c: {  	_ =	shalt  }
0x4d: {  	_ =	shalt  }
0x4e: {  	_ =	shalt  }
0x4f: {  	_ =	shalt  }
0x50: {  	_ =	shalt  }
0x51: {  	_ =	shalt  }
0x52: {  	_ =	shalt  }
0x53: {  	_ =	shalt  }
0x54: {  	_ =	shalt  }
0x55: {  	_ =	shalt  }
0x56: {  	_ =	shalt  }
0x57: {  	_ =	shalt  }
0x58: {  	_ =	shalt  }
0x59: {  	_ =	shalt  }
0x5a: {  	_ =	shalt  }
0x5b: {  	_ =	shalt  }
0x5c: {  	_ =	shalt  }
0x5d: {  	_ =	shalt  }
0x5e: {  	_ =	shalt  }
0x5f: {  	_ =	shalt  }
0x60: {  	_ =	shalt  }
0x61: {  	_ =	shalt  }
0x62: {  	_ =	shalt  }
0x63: {  	_ =	shalt  }
0x64: {  	_ =	shalt  }
0x65: {  	_ =	shalt  }
0x66: {  	_ =	shalt  }
0x67: {  	_ =	shalt  }
0x68: {  	_ =	shalt  }
0x69: {  	_ =	shalt  }
0x6a: {  	_ =	shalt  }
0x6b: {  	_ =	shalt  }
0x6c: {  	_ =	shalt  }
0x6d: {  	_ =	shalt  }
0x6e: {  	_ =	shalt  }
0x6f: {  	_ =	shalt  }
0x70: {  	_ =	shalt  }
0x71: {  	_ =	shalt  }
0x72: {  	_ =	shalt  }
0x73: {  	_ =	shalt  }
0x74: {  	_ =	shalt  }
0x75: {  	_ =	shalt  }
0x76: {  	_ =	shalt  }
0x77: {  	_ =	shalt  }
0x78: {  	_ =	shalt  }
0x79: {  	_ =	shalt  }
0x7a: {  	_ =	shalt  }
0x7b: {  	_ =	shalt  }
0x7c: {  	_ =	shalt  }
0x7d: {  	_ =	shalt  }
0x7e: {  	_ =	shalt  }
0x7f: {  	_ =	shalt  }
0x80: {  	_ =	shalt  }
0x81: {  	_ =	shalt  }
0x82: {  	_ =	shalt  }
0x83: {  	_ =	shalt  }
0x84: {  	_ =	shalt  }
0x85: {  	_ =	shalt  }
0x86: {  	_ =	shalt  }
0x87: {  	_ =	shalt  }
.Lfunc_end0:
.L_simem_size_0:
called_computation_lowered:
.L_overlay_start_0:
0x88: {  	s2 =	sld [smem:$0x3FD9]  }
0x89: {  	s3 =	sld [smem:$0x3FFE];
	_ =	sdelay $0x1  }
0x8a: {  	s1 =	srdreg.scid  }
0x8b: {  	s0 =	sand.u32 $0x1, s1  }
0x8c: {  	s18 =	sshll.u32 s0, $0xA;
	s2 =	sadd.s32 s3, s2  }
0x8d: {  	s2 =	sadd.s32 s2, s18  }
0x8e: {  	[smem:$0x3FC5] =	sst s2  }
0x8f: {  	_ = 	snop  }
0x90: {  	s2 =	sld [smem:$0x3FC9]  }
0x91: {  	s19 =	sld [smem:$0x3FD0];
	(tm) =	ssettm $0x1  }
0x92: {  	s4 =	sld [smem:$0x3FFB];
	_ =	sdelay $0x3  }
0x93: {  	_ =	strace s4  }
0x94: {  	s4 =	sld [smem:$0x3FFC];
	_ =	sdelay $0x3  }
0x95: {  	_ =	strace s4  }
0x96: {  	s4 =	sld [smem:$0x3FFD];
	_ =	sdelay $0x3  }
0x97: {  	_ =	strace s4  }
0x98: {  	_ =	strace $0x8FFFFFFF  }
0x99: {  	s20 =	sld [smem:$0x3FDB];
	_ =	sdelay $0x1  }
0x9a: {  	s5 =	simm.s32 $_scs_section_size  }
0x9b: {  	s6 =	simm.s32 $_size__tile_overlayer_lowered;
	s7 =	simm.s32 $_tile_overlayer_lowered  }
0x9c: {  	s23 =	simm.s32 $0x1BFF;
	s22 =	sshll.u32 s7, $0x1;
	s4 =	sadd.s32 s5, s20  }
0x9d: {  	s8 =	simm.s32 $0x0;
	s21 =	sshll.u32 s6, $0x1;
	s6 =	sadd.s32 s22, s4  }
0x9e: {  	[timem:s8], [sflag:s23] =	dma.local [hbm:s6], s21  }
0x9f: {  	_ =	swait.ge [sflag:s23], s21  }
0xa0: {  	s5 =	ssub.s32 $0x0, s21;
	[sflag:s23] =	ssyncset.done $0x0  }
0xa1: {  	[sflag:s23] =	ssyncadd.s32 s5;
	_ =	sdelay $0x1  }
0xa2: {  	s24 =	simm.s32 $0x1B8B  }
0xa3: {  	_ =	swait.ge [sflag:s24], $0x1  }
0xa4: {  	[sflag:s24] =	ssyncset.done $0x0  }
0xa5: {  	s25 =	simm.s32 $0x1B8E;
	[sflag:s24] =	ssyncadd.s32 $0xFFFFFFFF  }
0xa6: {  	s26 =	simm.s32 $execute0_lowered;
	[smem:$0x3FD2] =	sst s25  }
0xa7: {  	s5 =	sshll.u32 s26, $0x1;
	_ =	strace $0x80000046;
	[dreg:$0x1] =	wrdreg $0xFFFFFFFF  }
0xa8: {  	s28 =	simm.s32 $_size_execute0_lowered;
	s4 =	sadd.s32 s4, s5;
	[dreg:$0x0] =	wrdreg $0x0  }
0xa9: {  	s5 =	sshll.u32 s28, $0x1;
	[dreg:$0x2] =	wrdreg s4  }
0xaa: {  	[dreg:$0x3] =	wrdreg s5  }
0xab: {  	[dreg:$0x4] =	wrdreg $0xC0  }
0xac: {  	_ =	task [dreg:s8], $0x5FFFF  }
0xad: {  	[dreg:$0x1] =	wrdreg $0xFFFFFFFF  }
0xae: {  	[dreg:$0x0] =	wrdreg $0x60  }
0xaf: {  	[dreg:$0x2] =	wrdreg s2  }
0xb0: {  	[dreg:$0x3] =	wrdreg s19  }
0xb1: {  	[dreg:$0x4] =	wrdreg $0x9  }
0xb2: {  	_ =	task.clear_ibuf [dreg:s8], $0x5FFFF;
	_ =	strace $0x90000046  }
0xb3: {  	s29 =	simm.s32 $0x9;
	_ =	strace $0x80000048  }
0xb4: {  	_ =	swait.ge [sflag:s29], $0x1  }
0xb5: {  	[sflag:s29] =	ssyncadd.s32 $0xFFFFFFFF  }
0xb6: {  	_ =	strace $0x90000048  }
0xb7: {  	_ =	sfence  }
0xb8: {  	s30 =	sld [smem:$0x0];
	_ =	sdelay $0x2  }
0xb9: {  	s31 =	sshll.u32 s1, $0xD;
	s1 =	sshrl.u32 s1, $0x2  }
0xba: {  	s3 =	sand.u32 $0x4000, s31;
	s1 =	sadd.s32 s1, s30  }
0xbb: {  	s0 =	sor.u32 s3, s0;
	s1 =	sshll.u32 s1, $0x11  }
0xbc: {  	s0 =	sor.u32 s1, s0  }
0xbd: {  	s0 =	sadd.s32 $0x8F2B, s0  }
0xbe: {  	[sflag:s0] =	ssyncadd.remote.s32 $0x1  }
0xbf: {  	_ =	sfence.sel $0xFFFF  }
0xc0: {  	[dreg:$0x0] =	wrdreg $0xFFFFFFFF;
	(pc) =	sbr.abs _section_cstart, $3  }
0xc1: {  	[dreg:$0x1] =	wrdreg $0xFFFFFFFF  }
0xc2: {  	_ =	task.clear_ibuf [dreg:s8], $0x2FFFF;
	_ =	strace $0x9FFFFFFF  }
0xc3: {  	(tm) =	ssettm $0x7FFFFFFF  }
tec
execute0_lowered:
.L_overlay_start_1:
0x0: {  	(tag) =	ssettag $0x1  }
0x1: {  	s2 =	rddreg [dreg:$0x0];
	s1 =	srdreg.scid  }
0x2: {  	s0 =	stileid.u32;
	s3 =	rddreg [dreg:$0x1];
	s4 =	simm.s32 $0x0  }
0x3: {  	s11 =	simm.s32 $0x3E80;
	s12 =	simm.s32 $0x1;
	s13 =	simm.s32 $0x7D00  }
0x4: {  	s14 =	simm.s32 $0x2;
	s5 =	sand.u32 $0x1, s1;
	s6 =	sshll.u32 s0, $0x1  }
0x5: {  	s15 =	simm.s32 $0xBB80;
	s16 =	simm.s32 $0x3;
	s6 =	sor.u32 s5, s6  }
0x6: {  	s17 =	simm.s32 $0x4;
	s18 =	simm.s32 $0x0;
	s7 =	smul.u32 $0x61A80, s6  }
0x7: {  	s1 =	rddreg [dreg:$0x2];
	s8 =	ssub.s32 $0x2, s5;
	s9 =	smul.u32 $0xC350, s6  }
0x8: {  	[smem:$0x7FF] =	sst s4;
	s10 =	sshrl.u32 s8, $0x1;
	s5 =	smul.u32 $0xC35, s6  }
0x9: {  	_ =	strace $0x80000047;
	s10 =	ssub.s32 s8, s10;
	s7 =	sshrl.u32 s7, $0x3  }
0xa: {  	s6 =	sadd.s32 s2, s9;
	s8 =	sadd.s32 $0xFA, s5;
	s31 =	sadd.s32 s3, s7  }
0xb: {  	s10 =	smax.u32 s10, $0x1;
	s7 =	sadd.s32 $0x7D, s5;
	s9 =	sadd.s32 $0xBB80, s31  }
.LBB2_1:
0xc: {  	[tilespmem:s4], [sflag:$0x1] =	stream.linear.gather [hbm4b:s6+s4], $0x3E80, $0x38;
	[tilespmem:$0xFA00] =	vst v63  }
0xd: {  	s19 =	simm.s32 $0x0  }
.LBB2_2:
0xe: {  	s21 =	smul.u32 $0xFA, s19;
	_ =	sdelay $0x1  }
0xf: {  	s20 =	sadd.s32 s21, s7  }
0x10: {  	s20 =	sshll.u32 s20, $0x4  }
0x11: {  	s20 =	sand.u32 $0x1FFFFFF0, s20  }
0x12: {  	s22 =	sadd.s32 s2, s20  }
0x13: {  	[tilespmem:s11], [sflag:$0x2] =	stream.linear.gather [hbm4b:s22+s4], $0x3E80, $0x38;
	[tilespmem:$0xFA00] =	vst v63  }
0x14: {  	_ =	swait.ge [sflag:s12], $0x3E80  }
0x15: {  	p0 =	seq.s32 s19, $0x0;
	[sflag:s12] =	ssyncset.done $0x0  }
0x16: {  	s22 =	simm.s32 @!p0 $0x3;
	[sflag:s12] =	ssyncadd.s32 $0xFFFFC180  }
0x17: {  	_ =	swait.ge @!p0 [sflag:s22], $0x3E80  }
0x18: {  	[sflag:s22] =	ssyncset.done @!p0 $0x0  }
0x19: {  	s24 =	simm.s32 $0x0;
	[sflag:s22] =	ssyncadd.s32 @!p0 $0xFFFFC180  }
0x1a: {  	v0 =	vld [tilespmem:s24+$0x0]  }
0x1b: {  	v1 =	vld [tilespmem:s24+$0x10]  }
0x1c: {  	v2 =	vld [tilespmem:s24+$0x20]  }
0x1d: {  	v3 =	vld [tilespmem:s24+$0x30]  }
0x1e: {  	v4 =	vld [tilespmem:s24+$0x40]  }
0x1f: {  	v5 =	vld [tilespmem:s24+$0x50]  }
0x20: {  	v6 =	vld [tilespmem:s24+$0x60]  }
0x21: {  	v7 =	vld [tilespmem:s24+$0x70];
	_ =	sdelay $0x3  }
0x22: {  	v8 =	vadd.f32 v1, v0;
	v9 =	vadd.f32 v3, v2  }
0x23: {  	v10 =	vadd.f32 v5, v4;
	v11 =	vadd.f32 v7, v6;
	_ =	sdelay $0x1  }
0x24: {  	v8 =	vadd.f32 v9, v8;
	v9 =	vadd.f32 v11, v10  }
0x25: {  	s22 =	simm.s32 $0x80  }
0x26: {  	v12 =	vld [tilespmem:s22+$0x40];
	v8 =	vadd.f32 v9, v8  }
0x27: {  	v13 =	vld [tilespmem:s22+$0x50]  }
0x28: {  	v14 =	vld [tilespmem:s22+$0x60];
	(xrf2) =	vadd.scan.msk.f32 $0xffff, v8  }
0x29: {  	v15 =	vld [tilespmem:s22+$0x70]  }
0x2a: {  	v10 =	vld [tilespmem:s22+$0x10]  }
0x2b: {  	v11 =	vld [tilespmem:s22+$0x20]  }
0x2c: {  	v9 =	vld [tilespmem:s22+$0x0]  }
0x2d: {  	v8 =	vld [tilespmem:s22+$0x30];
	_ =	sdelay $0x3  }
0x2e: {  	v18 =	vadd.f32 v13, v12;
	v19 =	vadd.f32 v15, v14  }
0x2f: {  	v16 =	vadd.f32 v10, v9;
	v17 =	vadd.f32 v8, v11;
	v20, _, _ =	vpop (xrf2)  }
0x30: {  	v20 =	vmul.f32 $7.812500000e-03, v20  }
0x31: {  	v16 =	vadd.f32 v17, v16;
	v17 =	vadd.f32 v19, v18  }
0x32: {  	v18 =	vbroadcast v20, $0xF  }
0x33: {  	v16 =	vadd.f32 v17, v16  }
0x34: {  	s23 =	simm.s32 $0x100;
	v33 =	vsub.f32 v0, v18;
	v36 =	vsub.f32 v1, v18  }
0x35: {  	v21 =	vld [tilespmem:s23+$0x0];
	v37 =	vsub.f32 v2, v18;
	v38 =	vsub.f32 v3, v18  }
0x36: {  	v26 =	vld [tilespmem:s23+$0x10];
	v35 =	vsub.f32 v4, v18;
	v34 =	vsub.f32 v5, v18  }
0x37: {  	v27 =	vld [tilespmem:s23+$0x20];
	(xrf2) =	vadd.scan.msk.f32 $0xffff, v16;
	v0 =	vsub.f32 v6, v18;
	v1 =	vmul.f32 v33, v33;
	v2 =	vmul.f32 v36, v36  }
0x38: {  	v29 =	vld [tilespmem:s23+$0x40];
	v28 =	vsub.f32 v7, v18;
	v3 =	vmul.f32 v37, v37;
	v4 =	vmul.f32 v38, v38  }
0x39: {  	v31 =	vld [tilespmem:s23+$0x60];
	v5 =	vmul.f32 v35, v35;
	v6 =	vmul.f32 v34, v34  }
0x3a: {  	v32 =	vld [tilespmem:s23+$0x70];
	v7 =	vmul.f32 v0, v0;
	v17 =	vmul.f32 v28, v28  }
0x3b: {  	v16 =	vld [tilespmem:s23+$0x30];
	v1 =	vadd.f32 v2, v1;
	v2 =	vadd.f32 v4, v3  }
0x3c: {  	v30 =	vld [tilespmem:s23+$0x50];
	v3 =	vadd.f32 v6, v5;
	v4 =	vadd.f32 v17, v7;
	_ =	sdelay $0x1  }
0x3d: {  	v1 =	vadd.f32 v2, v1;
	v2 =	vadd.f32 v4, v3  }
0x3e: {  	v5 =	vadd.f32 v32, v31  }
0x3f: {  	v3 =	vadd.f32 v16, v27;
	v1 =	vadd.f32 v2, v1  }
0x40: {  	v4 =	vadd.f32 v30, v29;
	v6, _, _ =	vpop (xrf2);
	v2 =	vadd.f32 v26, v21  }
0x41: {  	(xrf2) =	vadd.scan.msk.f32 $0xffff, v1;
	v1 =	vmul.f32 $7.812500000e-03, v6  }
0x42: {  	v2 =	vadd.f32 v3, v2;
	v3 =	vadd.f32 v5, v4  }
0x43: {  	v22 =	vbroadcast v1, $0xF  }
0x44: {  	v2 =	vadd.f32 v3, v2  }
0x45: {  	s25 =	simm.s32 $0x180;
	v4 =	vsub.f32 v9, v22;
	v5 =	vsub.f32 v10, v22  }
0x46: {  	v24 =	vld [tilespmem:s25+$0x50];
	v3 =	vsub.f32 v11, v22;
	v7 =	vsub.f32 v8, v22  }
0x47: {  	v25 =	vld [tilespmem:s25+$0x60];
	v6 =	vsub.f32 v12, v22;
	v1 =	vsub.f32 v13, v22  }
0x48: {  	v19 =	vld [tilespmem:s25+$0x20];
	(xrf2) =	vadd.scan.msk.f32 $0xffff, v2;
	v2 =	vsub.f32 v14, v22;
	v8 =	vmul.f32 v4, v4;
	v10 =	vmul.f32 v5, v5  }
0x49: {  	v18 =	vld [tilespmem:s25+$0x10];
	v9 =	vsub.f32 v15, v22;
	v11 =	vmul.f32 v3, v3;
	v12 =	vmul.f32 v7, v7  }
0x4a: {  	v17 =	vld [tilespmem:s25+$0x0];
	v13 =	vmul.f32 v6, v6;
	v14 =	vmul.f32 v1, v1  }
0x4b: {  	v22 =	vld [tilespmem:s25+$0x40];
	v15 =	vmul.f32 v2, v2;
	v8 =	vadd.f32 v10, v8;
	v10 =	vmul.f32 v9, v9;
	v23, _, _ =	vpop (xrf2)  }
0x4c: {  	v20 =	vld [tilespmem:s25+$0x30];
	v11 =	vadd.f32 v12, v11;
	v39 =	vmul.f32 $7.812500000e-03, v23  }
0x4d: {  	v12 =	vadd.f32 v14, v13;
	v10 =	vadd.f32 v10, v15;
	v23 =	vld [tilespmem:s25+$0x70]  }
0x4e: {  	v13 =	vadd.f32 $9.999999710e-10, v39  }
0x4f: {  	v8 =	vadd.f32 v11, v8;
	v10 =	vadd.f32 v10, v12  }
0x50: {  	v14 =	vadd.f32 v24, v22;
	v12 =	vadd.f32 v18, v17;
	v11 =	vbroadcast v13, $0xF  }
0x51: {  	v8 =	vadd.f32 v10, v8;
	v13 =	vadd.f32 v20, v19  }
0x52: {  	v46, _, _ =	vpop (xrf2);
	v15 =	vadd.f32 v23, v25;
	v10 =	vshra.s32 v11, $0x1;
	v11 =	vmul.f32 $-5.000000000e-01, v11  }
0x53: {  	(xrf2) =	vadd.scan.msk.f32 $0xffff, v8;
	v40 =	vsub.s32 $0x5F3759DF, v10;
	v10 =	vmul.f32 $7.812500000e-03, v46  }
0x54: {  	v8 =	vmul.f32 v40, v11;
	v11 =	vadd.f32 v13, v12;
	v12 =	vadd.f32 v15, v14  }
0x55: {  	v14 =	vbroadcast v10, $0xF  }
0x56: {  	v47 =	vadd.f32 v12, v11  }
0x57: {  	v8 =	vmul.f32 v40, v8;
	v12 =	vsub.f32 v21, v14;
	v13 =	vsub.f32 v26, v14  }
0x58: {  	s26 =	simm.s32 $0x200;
	v11 =	vsub.f32 v27, v14;
	v10 =	vsub.f32 v16, v14  }
0x59: {  	v26 =	vld [tilespmem:s26+$0x0];
	v16 =	vsub.f32 v31, v14;
	v15 =	vadd.f32 $1.500000000e+00, v8  }
0x5a: {  	v27 =	vld [tilespmem:s26+$0x10];
	v8 =	vsub.f32 v29, v14;
	v29 =	vmul.f32 v12, v12;
	v48 =	vmul.f32 v13, v13  }
0x5b: {  	v31 =	vld [tilespmem:s26+$0x30];
	(xrf2) =	vadd.scan.msk.f32 $0xffff, v47;
	v49 =	vmul.f32 v11, v11;
	v21 =	vmul.f32 v40, v15;
	v15 =	vsub.f32 v30, v14  }
0x5c: {  	v42 =	vmul.f32 v10, v10;
	v45 =	vmul.f32 v16, v16;
	v30 =	vld [tilespmem:s26+$0x20];
	v14 =	vsub.f32 v32, v14  }
0x5d: {  	v43 =	vmul.f32 v8, v8;
	v32 =	vld [tilespmem:s26+$0x40];
	v46, _, _ =	vpop (xrf2);
	v40 =	vadd.f32 v48, v29;
	v44 =	vmul.f32 v15, v15  }
0x5e: {  	v39 =	vadd.f32 v42, v49;
	v29 =	vld [tilespmem:s26+$0x60];
	v47 =	vmul.f32 v14, v14;
	v46 =	vmul.f32 $7.812500000e-03, v46  }
0x5f: {  	v41 =	vmul.f32 v21, v28;
	v28 =	vld [tilespmem:s26+$0x50];
	v51 =	vmul.f32 v21, v33;
	v50 =	vadd.f32 v44, v43  }
0x60: {  	v33 =	vld [tilespmem:s26+$0x70];
	v36 =	vmul.f32 v21, v36;
	v52 =	vadd.f32 v47, v45;
	v53 =	vadd.f32 $9.999999710e-10, v46  }
0x61: {  	v37 =	vmul.f32 v21, v37;
	v38 =	vmul.f32 v21, v38  }
0x62: {  	v39 =	vadd.f32 v39, v40;
	[tilespmem:s24+$0x7D70] =	vst v41;
	v54 =	vadd.f32 v52, v50;
	v55 =	vbroadcast v53, $0xF  }
0x63: {  	v56 =	vadd.f32 v27, v26;
	v58 =	vmul.f32 v21, v35;
	[tilespmem:s24+$0x7D00] =	vst v51;
	v57 =	vadd.f32 v31, v30  }
0x64: {  	[tilespmem:s24+$0x7D10] =	vst v36;
	v39 =	vadd.f32 v54, v39;
	v59 =	vshra.s32 v55, $0x1;
	v60 =	vmul.f32 $-5.000000000e-01, v55  }
0x65: {  	[tilespmem:s24+$0x7D20] =	vst v37;
	v61 =	vadd.f32 v28, v32;
	v62 =	vadd.f32 v33, v29;
	v63, _, _ =	vpop (xrf2);
	v35 =	vsub.s32 $0x5F3759DF, v59  }
0x66: {  	[tilespmem:s24+$0x7D30] =	vst v38;
	v37 =	vmul.f32 $7.812500000e-03, v63;
	v36 =	vmul.f32 v35, v60;
	(xrf2) =	vadd.scan.msk.f32 $0xffff, v39  }
0x67: {  	s29 =	simm.s32 $0xA00;
	s28 =	sadd.s32 s5, s21;
	v34 =	vmul.f32 v21, v34;
	[tilespmem:s24+$0x7D40] =	vst v58;
	v38 =	vadd.f32 v57, v56;
	v39 =	vadd.f32 v62, v61  }
.LBB2_3:
0x68: {  	p1 =	sne.s32 s29, $0xF800;
	v37 =	vbroadcast v37, $0xF;
	v36 =	vmul.f32 v35, v36;
	v40 =	vmov v15  }
0x69: {  	v15 =	vmul.f32 v21, v0;
	v0 =	vmovc v2;
	v2 =	vmov v16;
	v38 =	vadd.f32 v39, v38;
	[tilespmem:s24+$0x7D50] =	vst v34  }
0x6a: {  	v34 =	vsub.f32 v17, v37;
	v16 =	vadd.f32 $1.500000000e+00, v36;
	v17 =	vmov v26  }
0x6b: {  	s30 =	sshra.s32 s29, $0x2;
	v36 =	vsub.f32 v18, v37;
	v39 =	vsub.f32 v19, v37;
	v18 =	vmovc v27;
	v19 =	vmov v30;
	[tilespmem:s24+$0x7D60] =	vst v15;
	s24 =	smov.u32 s22;
	s22 =	smov.u32 s23  }
0x6c: {  	v41 =	vsub.f32 v20, v37;
	v42 =	vsub.f32 v22, v37;
	v20 =	vmovc v31;
	s23 =	smov.u32 s25;
	s25 =	smov.u32 s26;
	s26 =	smov.u32 s30;
	v26 =	vld [tilespmem:s30+$0x0];
	v21 =	vmul.f32 v35, v16  }
0x6d: {  	v22 =	vmovc v32;
	v15 =	vsub.f32 v24, v37;
	v35 =	vmul.f32 v34, v34;
	v43 =	vmul.f32 v36, v36;
	v27 =	vld [tilespmem:s26+$0x10]  }
0x6e: {  	v16 =	vsub.f32 v25, v37;
	v30 =	vld [tilespmem:s26+$0x20];
	(xrf2) =	vadd.scan.msk.f32 $0xffff, v38;
	v38 =	vmul.f32 v39, v39;
	v48 =	vmul.f32 v21, v9  }
0x6f: {  	v44 =	vmul.f32 v41, v41;
	v45 =	vmul.f32 v42, v42;
	v9 =	vmovc v14;
	v14 =	vsub.f32 v23, v37;
	v31 =	vld [tilespmem:s26+$0x30]  }
0x70: {  	v24 =	vmov v28;
	v37 =	vmul.f32 v15, v15;
	v46 =	vmul.f32 v16, v16;
	v32 =	vld [tilespmem:s26+$0x40];
	v23, _, _ =	vpop (xrf2);
	[tilespmem:s24+$0x7D70] =	vst v48  }
0x71: {  	v25 =	vmovc v29;
	v35 =	vadd.f32 v43, v35;
	v43 =	vmul.f32 v14, v14;
	v28 =	vld [tilespmem:s26+$0x50];
	v47 =	vmul.f32 $7.812500000e-03, v23;
	v23 =	vmovc v33  }
0x72: {  	v38 =	vadd.f32 v44, v38;
	v37 =	vadd.f32 v37, v45;
	v44 =	vmul.f32 v21, v4;
	v4 =	vmovc v12;
	v29 =	vld [tilespmem:s26+$0x60]  }
0x73: {  	v12 =	vmovc v34;
	v43 =	vadd.f32 v43, v46;
	v46 =	vmul.f32 v21, v5;
	v5 =	vmovc v13;
	v33 =	vld [tilespmem:s26+$0x70];
	v45 =	vadd.f32 $9.999999710e-10, v47  }
0x74: {  	v34 =	vmul.f32 v21, v3;
	v3 =	vmovc v11;
	v13 =	vmov v36;
	[tilespmem:s24+$0x7D00] =	vst v44;
	v44 =	vmul.f32 v21, v7  }
0x75: {  	v11 =	vmovc v39;
	v35 =	vadd.f32 v38, v35;
	v36 =	vadd.f32 v43, v37;
	v45 =	vbroadcast v45, $0xF;
	[tilespmem:s24+$0x7D10] =	vst v46  }
.Ltmp0:
0x76: {  	v38 =	vadd.f32 v27, v26;
	v39 =	vadd.f32 v31, v30;
	v46 =	vmul.f32 v21, v6;
	[tilespmem:s24+$0x7D20] =	vst v34;
	(pc) =	sbr.rel @p1 .LBB2_3-.Ltmp0, $4  }
0x77: {  	v7 =	vmovc v10;
	v10 =	vmovc v41;
	v34 =	vadd.f32 v36, v35;
	v35 =	vshra.s32 v45, $0x1;
	v36 =	vmul.f32 $-5.000000000e-01, v45;
	[tilespmem:s24+$0x7D30] =	vst v44  }
0x78: {  	v41 =	vadd.f32 v28, v32;
	v43 =	vadd.f32 v33, v29;
	v37, _, _ =	vpop (xrf2);
	v35 =	vsub.s32 $0x5F3759DF, v35;
	[tilespmem:s24+$0x7D40] =	vst v46  }
0x79: {  	v6 =	vmovc v8;
	v8 =	vmov v42;
	v37 =	vmul.f32 $7.812500000e-03, v37;
	(xrf2) =	vadd.scan.msk.f32 $0xffff, v34;
	v36 =	vmul.f32 v35, v36  }
0x7a: {  	s29 =	sadd.s32 $0x200, s29;
	v38 =	vadd.f32 v39, v38;
	v34 =	vmul.f32 v21, v1;
	v1 =	vmovc v40;
	v39 =	vadd.f32 v43, v41  }
0x7b: {  	_ = 	snop  }
0x7c: {  	v38 =	vadd.f32 v39, v38;
	_ =	sdelay $0x1  }
0x7d: {  	v37 =	vbroadcast v37, $0xF;
	(xrf2) =	vadd.scan.msk.f32 $0xffff, v38;
	_ =	sdelay $0x1  }
0x7e: {  	v17 =	vsub.f32 v17, v37;
	v18 =	vsub.f32 v18, v37  }
0x7f: {  	v19 =	vsub.f32 v19, v37;
	v20 =	vsub.f32 v20, v37  }
0x80: {  	v22 =	vsub.f32 v22, v37;
	v24 =	vsub.f32 v24, v37  }
0x81: {  	v25 =	vsub.f32 v25, v37;
	v63 =	vmul.f32 v17, v17;
	v48 =	vmul.f32 v18, v18  }
0x82: {  	v23 =	vsub.f32 v23, v37;
	v40 =	vmul.f32 v19, v19;
	v49 =	vmul.f32 v20, v20  }
0x83: {  	v41 =	vmul.f32 v22, v22;
	v42 =	vmul.f32 v24, v24  }
0x84: {  	v43 =	vmul.f32 v25, v25;
	v44 =	vmul.f32 v23, v23  }
0x85: {  	v38 =	vadd.f32 v48, v63;
	v37 =	vadd.f32 v49, v40;
	v45, _, _ =	vpop (xrf2)  }
0x86: {  	v50 =	vadd.f32 v42, v41;
	v51 =	vadd.f32 v44, v43;
	v52, _, _ =	vpop (xrf2)  }
0x87: {  	v41 =	vmul.f32 $7.812500000e-03, v52  }
0x88: {  	v37 =	vadd.f32 v37, v38;
	v53 =	vadd.f32 v51, v50  }
0x89: {  	v54 =	vbroadcast v41, $0xF  }
0x8a: {  	v37 =	vadd.f32 v53, v37  }
0x8b: {  	v26 =	vsub.f32 v26, v54;
	v27 =	vsub.f32 v27, v54  }
0x8c: {  	v30 =	vsub.f32 v30, v54;
	v31 =	vsub.f32 v31, v54  }
0x8d: {  	v32 =	vsub.f32 v32, v54;
	v28 =	vsub.f32 v28, v54  }
0x8e: {  	v29 =	vsub.f32 v29, v54;
	v55 =	vmul.f32 v26, v26;
	v56 =	vmul.f32 v27, v27  }
0x8f: {  	v33 =	vsub.f32 v33, v54;
	v57 =	vmul.f32 v30, v30;
	v58 =	vmul.f32 v31, v31  }
0x90: {  	(xrf2) =	vadd.scan.msk.f32 $0xffff, v37;
	v59 =	vmul.f32 v32, v32;
	v60 =	vmul.f32 v28, v28  }
0x91: {  	v61 =	vmul.f32 v29, v29;
	v62 =	vmul.f32 v33, v33  }
0x92: {  	v45 =	vmul.f32 $7.812500000e-03, v45;
	v38 =	vadd.f32 v56, v55;
	v39 =	vadd.f32 v58, v57  }
0x93: {  	v63 =	vadd.f32 v60, v59;
	v37 =	vadd.f32 v62, v61  }
0x94: {  	v36 =	vmul.f32 v35, v36;
	v46 =	vadd.f32 $9.999999710e-10, v45  }
0x95: {  	v38 =	vadd.f32 v39, v38;
	v37 =	vadd.f32 v37, v63  }
0x96: {  	v36 =	vadd.f32 $1.500000000e+00, v36  }
0x97: {  	v47 =	vbroadcast v46, $0xF;
	v37 =	vadd.f32 v37, v38  }
0x98: {  	v0 =	vmul.f32 v21, v0;
	v49 =	vmul.f32 v35, v36  }
0x99: {  	v48 =	vshra.s32 v47, $0x1;
	v39 =	vmul.f32 $-5.000000000e-01, v47;
	(xrf2) =	vadd.scan.msk.f32 $0xffff, v37  }
0x9a: {  	[tilespmem:s24+$0x7D60] =	vst v0;
	v9 =	vmul.f32 v49, v9;
	v0 =	vmul.f32 v49, v4;
	v50 =	vsub.s32 $0x5F3759DF, v48;
	v51, _, _ =	vpop (xrf2)  }
0x9b: {  	v52 =	vmul.f32 $7.812500000e-03, v51;
	v21 =	vmul.f32 v50, v39  }
0x9c: {  	[tilespmem:s22+$0x7D00] =	vst v0;
	v0 =	vmul.f32 v49, v3  }
0x9d: {  	v5 =	vmul.f32 v49, v5;
	[tilespmem:s22+$0x7D70] =	vst v9;
	v9 =	vadd.f32 $9.999999710e-10, v52;
	v4 =	vmul.f32 v50, v21  }
0x9e: {  	[tilespmem:s22+$0x7D20] =	vst v0;
	v0 =	vmul.f32 v49, v6  }
0x9f: {  	[tilespmem:s22+$0x7D10] =	vst v5;
	v5 =	vbroadcast v9, $0xF;
	v3 =	vadd.f32 $1.500000000e+00, v4;
	v4 =	vmul.f32 v49, v7  }
0xa0: {  	v1 =	vmul.f32 v49, v1;
	[tilespmem:s22+$0x7D40] =	vst v0;
	v0 =	vmul.f32 v49, v2  }
0xa1: {  	v3 =	vmul.f32 v50, v3;
	[tilespmem:s22+$0x7D30] =	vst v4;
	v4 =	vshra.s32 v5, $0x1;
	v5 =	vmul.f32 $-5.000000000e-01, v5  }
0xa2: {  	[tilespmem:s22+$0x7D50] =	vst v1;
	v4 =	vsub.s32 $0x5F3759DF, v4  }
0xa3: {  	[tilespmem:s22+$0x7D60] =	vst v0;
	v1 =	vmul.f32 v4, v5;
	v0 =	vmul.f32 v3, v12;
	v6, _, _ =	vpop (xrf2)  }
0xa4: {  	v2 =	vmul.f32 v3, v14;
	v5 =	vmul.f32 $7.812500000e-03, v6  }
0xa5: {  	v1 =	vmul.f32 v4, v1;
	[tilespmem:s23+$0x7D00] =	vst v0;
	v0 =	vmul.f32 v3, v11  }
0xa6: {  	[tilespmem:s23+$0x7D70] =	vst v2;
	v2 =	vmul.f32 v3, v13;
	v5 =	vadd.f32 $9.999999710e-10, v5  }
0xa7: {  	v1 =	vadd.f32 $1.500000000e+00, v1;
	[tilespmem:s23+$0x7D20] =	vst v0;
	v0 =	vmul.f32 v3, v8  }
0xa8: {  	[tilespmem:s23+$0x7D10] =	vst v2;
	v2 =	vbroadcast v5, $0xF  }
0xa9: {  	v1 =	vmul.f32 v4, v1;
	[tilespmem:s23+$0x7D40] =	vst v0;
	v0 =	vmul.f32 v3, v16  }
0xaa: {  	[tilespmem:s24+$0x7D50] =	vst v34;
	v6 =	vmul.f32 v3, v10;
	v4 =	vshra.s32 v2, $0x1;
	v2 =	vmul.f32 $-5.000000000e-01, v2  }
0xab: {  	[tilespmem:s23+$0x7D60] =	vst v0;
	v0 =	vmul.f32 v1, v17;
	v5 =	vmul.f32 v3, v15;
	v3 =	vsub.s32 $0x5F3759DF, v4  }
0xac: {  	[tilespmem:s23+$0x7D30] =	vst v6;
	v2 =	vmul.f32 v3, v2  }
0xad: {  	[tilespmem:s25+$0x7D00] =	vst v0;
	v0 =	vmul.f32 v1, v19  }
0xae: {  	[tilespmem:s23+$0x7D50] =	vst v5;
	v5 =	vmul.f32 v1, v20;
	v2 =	vmul.f32 v3, v2  }
0xaf: {  	v4 =	vmul.f32 v1, v23;
	[tilespmem:s25+$0x7D20] =	vst v0  }
0xb0: {  	v0 =	vmul.f32 v1, v22;
	[tilespmem:s25+$0x7D30] =	vst v5;
	v2 =	vadd.f32 $1.500000000e+00, v2  }
0xb1: {  	[tilespmem:s25+$0x7D70] =	vst v4;
	v4 =	vmul.f32 v1, v18  }
0xb2: {  	[tilespmem:s25+$0x7D40] =	vst v0;
	v0 =	vmul.f32 v1, v25;
	v2 =	vmul.f32 v3, v2  }
0xb3: {  	[tilespmem:s25+$0x7D10] =	vst v4;
	v4 =	vmul.f32 v1, v24  }
0xb4: {  	[tilespmem:s25+$0x7D60] =	vst v0;
	v1 =	vmul.f32 v2, v33  }
0xb5: {  	[tilespmem:s25+$0x7D50] =	vst v4;
	v0 =	vmul.f32 v2, v26  }
0xb6: {  	v3 =	vmul.f32 v2, v31;
	[tilespmem:s26+$0x7D70] =	vst v1  }
0xb7: {  	[tilespmem:s26+$0x7D00] =	vst v0;
	v0 =	vmul.f32 v2, v30  }
0xb8: {  	v1 =	vmul.f32 v2, v27;
	[tilespmem:s26+$0x7D30] =	vst v3  }
0xb9: {  	[tilespmem:s26+$0x7D20] =	vst v0;
	v0 =	vmul.f32 v2, v32  }
0xba: {  	[tilespmem:s26+$0x7D10] =	vst v1;
	v1 =	vmul.f32 v2, v28  }
0xbb: {  	s21 =	sadd.s32 s21, s8;
	[tilespmem:s26+$0x7D40] =	vst v0;
	v0 =	vmul.f32 v2, v29  }
0xbc: {  	s31 =	sshll.u32 s28, $0x4;
	s21 =	sshll.u32 s21, $0x4;
	[tilespmem:s26+$0x7D50] =	vst v1  }
0xbd: {  	s21 =	sand.u32 $0x1FFFFFF0, s21;
	s22 =	sadd.s32 s3, s31;
	[tilespmem:s26+$0x7D60] =	vst v0  }
0xbe: {  	[hbm4b:s22+s4] =	stream.linear.scatter [tilespmem:s13], [sflag:$0x3], $0x3E80, $0x38;
	[tilespmem:$0xFA00] =	vst v63  }
0xbf: {  	s21 =	sadd.s32 s2, s21  }
0xc0: {  	[tilespmem:s4], [sflag:$0x1] =	stream.linear.gather [hbm4b:s21+s4], $0x3E80, $0x38;
	[tilespmem:$0xFA00] =	vst v63  }
0xc1: {  	_ =	swait.ge [sflag:s14], $0x3E80  }
0xc2: {  	[sflag:s14] =	ssyncset.done $0x0  }
0xc3: {  	s21 =	simm.s32 @!p0 $0x4;
	[sflag:s14] =	ssyncadd.s32 $0xFFFFC180  }
0xc4: {  	_ =	swait.ge @!p0 [sflag:s21], $0x3E80  }
0xc5: {  	[sflag:s21] =	ssyncset.done @!p0 $0x0  }
0xc6: {  	s23 =	simm.s32 $0x0;
	[sflag:s21] =	ssyncadd.s32 @!p0 $0xFFFFC180  }
0xc7: {  	v0 =	vld [tilespmem:s23+$0x3E80]  }
0xc8: {  	v1 =	vld [tilespmem:s23+$0x3E90]  }
0xc9: {  	v2 =	vld [tilespmem:s23+$0x3EA0]  }
0xca: {  	v3 =	vld [tilespmem:s23+$0x3EB0]  }
0xcb: {  	v4 =	vld [tilespmem:s23+$0x3EC0]  }
0xcc: {  	v5 =	vld [tilespmem:s23+$0x3ED0]  }
0xcd: {  	v6 =	vld [tilespmem:s23+$0x3EE0]  }
0xce: {  	v7 =	vld [tilespmem:s23+$0x3EF0];
	_ =	sdelay $0x3  }
0xcf: {  	v8 =	vadd.f32 v1, v0;
	v9 =	vadd.f32 v3, v2  }
0xd0: {  	v10 =	vadd.f32 v5, v4;
	v11 =	vadd.f32 v7, v6;
	_ =	sdelay $0x1  }
0xd1: {  	v8 =	vadd.f32 v9, v8;
	v9 =	vadd.f32 v11, v10  }
0xd2: {  	s21 =	simm.s32 $0x80  }
0xd3: {  	v12 =	vld [tilespmem:s21+$0x3EC0];
	v8 =	vadd.f32 v9, v8  }
0xd4: {  	v13 =	vld [tilespmem:s21+$0x3ED0]  }
0xd5: {  	v14 =	vld [tilespmem:s21+$0x3EE0];
	(xrf2) =	vadd.scan.msk.f32 $0xffff, v8  }
0xd6: {  	v15 =	vld [tilespmem:s21+$0x3EF0]  }
0xd7: {  	v10 =	vld [tilespmem:s21+$0x3E90]  }
0xd8: {  	v11 =	vld [tilespmem:s21+$0x3EA0]  }
0xd9: {  	v9 =	vld [tilespmem:s21+$0x3E80]  }
0xda: {  	v8 =	vld [tilespmem:s21+$0x3EB0];
	_ =	sdelay $0x3  }
0xdb: {  	v18 =	vadd.f32 v13, v12;
	v19 =	vadd.f32 v15, v14  }
0xdc: {  	v16 =	vadd.f32 v10, v9;
	v17 =	vadd.f32 v8, v11;
	v20, _, _ =	vpop (xrf2)  }
0xdd: {  	v20 =	vmul.f32 $7.812500000e-03, v20  }
0xde: {  	v16 =	vadd.f32 v17, v16;
	v17 =	vadd.f32 v19, v18  }
0xdf: {  	v18 =	vbroadcast v20, $0xF  }
0xe0: {  	v16 =	vadd.f32 v17, v16  }
0xe1: {  	s22 =	simm.s32 $0x100;
	v53 =	vsub.f32 v0, v18;
	v36 =	vsub.f32 v1, v18  }
0xe2: {  	v21 =	vld [tilespmem:s22+$0x3E80];
	v37 =	vsub.f32 v2, v18;
	v38 =	vsub.f32 v3, v18  }
0xe3: {  	v26 =	vld [tilespmem:s22+$0x3E90];
	v35 =	vsub.f32 v4, v18;
	v34 =	vsub.f32 v5, v18  }
0xe4: {  	v27 =	vld [tilespmem:s22+$0x3EA0];
	(xrf2) =	vadd.scan.msk.f32 $0xffff, v16;
	v0 =	vsub.f32 v6, v18;
	v1 =	vmul.f32 v53, v53;
	v2 =	vmul.f32 v36, v36  }
0xe5: {  	v29 =	vld [tilespmem:s22+$0x3EC0];
	v28 =	vsub.f32 v7, v18;
	v3 =	vmul.f32 v37, v37;
	v4 =	vmul.f32 v38, v38  }
0xe6: {  	v31 =	vld [tilespmem:s22+$0x3EE0];
	v5 =	vmul.f32 v35, v35;
	v6 =	vmul.f32 v34, v34  }
0xe7: {  	v54 =	vld [tilespmem:s22+$0x3EF0];
	v7 =	vmul.f32 v0, v0;
	v17 =	vmul.f32 v28, v28  }
0xe8: {  	v16 =	vld [tilespmem:s22+$0x3EB0];
	v1 =	vadd.f32 v2, v1;
	v2 =	vadd.f32 v4, v3  }
0xe9: {  	v30 =	vld [tilespmem:s22+$0x3ED0];
	v3 =	vadd.f32 v6, v5;
	v4 =	vadd.f32 v17, v7;
	_ =	sdelay $0x1  }
0xea: {  	v1 =	vadd.f32 v2, v1;
	v2 =	vadd.f32 v4, v3  }
0xeb: {  	v5 =	vadd.f32 v54, v31  }
0xec: {  	v3 =	vadd.f32 v16, v27;
	v1 =	vadd.f32 v2, v1  }
0xed: {  	v4 =	vadd.f32 v30, v29;
	v6, _, _ =	vpop (xrf2);
	v2 =	vadd.f32 v26, v21  }
0xee: {  	(xrf2) =	vadd.scan.msk.f32 $0xffff, v1;
	v1 =	vmul.f32 $7.812500000e-03, v6  }
0xef: {  	v2 =	vadd.f32 v3, v2;
	v3 =	vadd.f32 v5, v4  }
0xf0: {  	v22 =	vbroadcast v1, $0xF  }
0xf1: {  	v2 =	vadd.f32 v3, v2  }
0xf2: {  	s24 =	simm.s32 $0x180;
	v4 =	vsub.f32 v9, v22;
	v5 =	vsub.f32 v10, v22  }
0xf3: {  	v24 =	vld [tilespmem:s24+$0x3ED0];
	v3 =	vsub.f32 v11, v22;
	v7 =	vsub.f32 v8, v22  }
0xf4: {  	v25 =	vld [tilespmem:s24+$0x3EE0];
	v6 =	vsub.f32 v12, v22;
	v1 =	vsub.f32 v13, v22  }
0xf5: {  	v19 =	vld [tilespmem:s24+$0x3EA0];
	(xrf2) =	vadd.scan.msk.f32 $0xffff, v2;
	v2 =	vsub.f32 v14, v22;
	v8 =	vmul.f32 v4, v4;
	v10 =	vmul.f32 v5, v5  }
0xf6: {  	v18 =	vld [tilespmem:s24+$0x3E90];
	v9 =	vsub.f32 v15, v22;
	v11 =	vmul.f32 v3, v3;
	v12 =	vmul.f32 v7, v7  }
0xf7: {  	v17 =	vld [tilespmem:s24+$0x3E80];
	v13 =	vmul.f32 v6, v6;
	v14 =	vmul.f32 v1, v1  }
0xf8: {  	v22 =	vld [tilespmem:s24+$0x3EC0];
	v15 =	vmul.f32 v2, v2;
	v8 =	vadd.f32 v10, v8;
	v10 =	vmul.f32 v9, v9;
	v23, _, _ =	vpop (xrf2)  }
0xf9: {  	v20 =	vld [tilespmem:s24+$0x3EB0];
	v11 =	vadd.f32 v12, v11;
	v55 =	vmul.f32 $7.812500000e-03, v23  }
0xfa: {  	v12 =	vadd.f32 v14, v13;
	v10 =	vadd.f32 v10, v15;
	v23 =	vld [tilespmem:s24+$0x3EF0]  }
0xfb: {  	v13 =	vadd.f32 $9.999999710e-10, v55  }
0xfc: {  	v8 =	vadd.f32 v11, v8;
	v10 =	vadd.f32 v10, v12  }
0xfd: {  	v14 =	vadd.f32 v24, v22;
	v12 =	vadd.f32 v18, v17;
	v11 =	vbroadcast v13, $0xF  }
0xfe: {  	v8 =	vadd.f32 v10, v8;
	v13 =	vadd.f32 v20, v19  }
0xff: {  	v56, _, _ =	vpop (xrf2);
	v15 =	vadd.f32 v23, v25;
	v10 =	vshra.s32 v11, $0x1;
	v11 =	vmul.f32 $-5.000000000e-01, v11  }
0x100: {  	(xrf2) =	vadd.scan.msk.f32 $0xffff, v8;
	v57 =	vsub.s32 $0x5F3759DF, v10;
	v10 =	vmul.f32 $7.812500000e-03, v56  }
0x101: {  	v8 =	vmul.f32 v57, v11;
	v11 =	vadd.f32 v13, v12;
	v12 =	vadd.f32 v15, v14  }
0x102: {  	v14 =	vbroadcast v10, $0xF  }
0x103: {  	v58 =	vadd.f32 v12, v11  }
0x104: {  	v8 =	vmul.f32 v57, v8;
	v12 =	vsub.f32 v21, v14;
	v13 =	vsub.f32 v26, v14  }
0x105: {  	s25 =	simm.s32 $0x200;
	v11 =	vsub.f32 v27, v14;
	v10 =	vsub.f32 v16, v14  }
0x106: {  	v32 =	vld [tilespmem:s25+$0x3EC0];
	v16 =	vsub.f32 v31, v14;
	v15 =	vadd.f32 $1.500000000e+00, v8  }
0x107: {  	v33 =	vld [tilespmem:s25+$0x3EF0];
	v8 =	vsub.f32 v29, v14;
	v29 =	vmul.f32 v12, v12;
	v59 =	vmul.f32 v13, v13  }
0x108: {  	v26 =	vld [tilespmem:s25+$0x3E80];
	(xrf2) =	vadd.scan.msk.f32 $0xffff, v58;
	v60 =	vmul.f32 v11, v11;
	v21 =	vmul.f32 v57, v15;
	v15 =	vsub.f32 v30, v14  }
0x109: {  	v27 =	vld [tilespmem:s25+$0x3E90];
	v62 =	vmul.f32 v10, v10;
	v49 =	vmul.f32 v16, v16;
	v14 =	vsub.f32 v54, v14  }
0x10a: {  	v31 =	vld [tilespmem:s25+$0x3EB0];
	v63 =	vmul.f32 v8, v8;
	v46, _, _ =	vpop (xrf2);
	v40 =	vadd.f32 v59, v29;
	v48 =	vmul.f32 v15, v15  }
0x10b: {  	v30 =	vld [tilespmem:s25+$0x3EA0];
	v39 =	vadd.f32 v62, v60;
	v47 =	vmul.f32 v14, v14;
	v46 =	vmul.f32 $7.812500000e-03, v46  }
0x10c: {  	v29 =	vld [tilespmem:s25+$0x3EE0];
	v61 =	vmul.f32 v21, v28;
	v51 =	vmul.f32 v21, v53;
	v50 =	vadd.f32 v48, v63  }
0x10d: {  	v28 =	vld [tilespmem:s25+$0x3ED0];
	v36 =	vmul.f32 v21, v36;
	v52 =	vadd.f32 v47, v49;
	v53 =	vadd.f32 $9.999999710e-10, v46  }
0x10e: {  	v37 =	vmul.f32 v21, v37;
	v38 =	vmul.f32 v21, v38  }
0x10f: {  	v39 =	vadd.f32 v39, v40;
	[tilespmem:s23+$0xBBF0] =	vst v61;
	v54 =	vadd.f32 v52, v50;
	v55 =	vbroadcast v53, $0xF  }
0x110: {  	v56 =	vadd.f32 v27, v26;
	v58 =	vmul.f32 v21, v35;
	[tilespmem:s23+$0xBB80] =	vst v51;
	v57 =	vadd.f32 v31, v30  }
0x111: {  	[tilespmem:s23+$0xBB90] =	vst v36;
	v39 =	vadd.f32 v54, v39;
	v59 =	vshra.s32 v55, $0x1;
	v60 =	vmul.f32 $-5.000000000e-01, v55  }
0x112: {  	[tilespmem:s23+$0xBBA0] =	vst v37;
	v62 =	vadd.f32 v33, v29;
	v61 =	vadd.f32 v28, v32;
	v63, _, _ =	vpop (xrf2);
	v35 =	vsub.s32 $0x5F3759DF, v59  }
0x113: {  	[tilespmem:s23+$0xBBB0] =	vst v38;
	v37 =	vmul.f32 $7.812500000e-03, v63;
	v36 =	vmul.f32 v35, v60;
	(xrf2) =	vadd.scan.msk.f32 $0xffff, v39  }
0x114: {  	s26 =	simm.s32 $0xA00;
	v34 =	vmul.f32 v21, v34;
	[tilespmem:s23+$0xBBC0] =	vst v58;
	v38 =	vadd.f32 v57, v56;
	v39 =	vadd.f32 v62, v61  }
.LBB2_5:
0x115: {  	p0 =	sne.s32 s26, $0xF800;
	v37 =	vbroadcast v37, $0xF;
	v36 =	vmul.f32 v35, v36;
	v40 =	vmov v15  }
0x116: {  	v15 =	vmul.f32 v21, v0;
	v0 =	vmovc v2;
	v2 =	vmov v16;
	v38 =	vadd.f32 v39, v38;
	[tilespmem:s23+$0xBBD0] =	vst v34  }
0x117: {  	v34 =	vsub.f32 v17, v37;
	v16 =	vadd.f32 $1.500000000e+00, v36;
	v17 =	vmov v26  }
0x118: {  	s28 =	sshra.s32 s26, $0x2;
	v36 =	vsub.f32 v18, v37;
	v39 =	vsub.f32 v19, v37;
	v18 =	vmovc v27;
	v19 =	vmov v30;
	[tilespmem:s23+$0xBBE0] =	vst v15;
	s23 =	smov.u32 s21;
	s21 =	smov.u32 s22  }
0x119: {  	v41 =	vsub.f32 v20, v37;
	v42 =	vsub.f32 v22, v37;
	v20 =	vmovc v31;
	s22 =	smov.u32 s24;
	s24 =	smov.u32 s25;
	s25 =	smov.u32 s28;
	v26 =	vld [tilespmem:s28+$0x3E80];
	v21 =	vmul.f32 v35, v16  }
0x11a: {  	v22 =	vmovc v32;
	v15 =	vsub.f32 v24, v37;
	v35 =	vmul.f32 v34, v34;
	v43 =	vmul.f32 v36, v36;
	v27 =	vld [tilespmem:s25+$0x3E90]  }
0x11b: {  	v16 =	vsub.f32 v25, v37;
	v30 =	vld [tilespmem:s25+$0x3EA0];
	(xrf2) =	vadd.scan.msk.f32 $0xffff, v38;
	v38 =	vmul.f32 v39, v39;
	v48 =	vmul.f32 v21, v9  }
0x11c: {  	v44 =	vmul.f32 v41, v41;
	v45 =	vmul.f32 v42, v42;
	v9 =	vmovc v14;
	v14 =	vsub.f32 v23, v37;
	v31 =	vld [tilespmem:s25+$0x3EB0]  }
0x11d: {  	v24 =	vmov v28;
	v37 =	vmul.f32 v15, v15;
	v46 =	vmul.f32 v16, v16;
	v32 =	vld [tilespmem:s25+$0x3EC0];
	v23, _, _ =	vpop (xrf2);
	[tilespmem:s23+$0xBBF0] =	vst v48  }
0x11e: {  	v25 =	vmovc v29;
	v35 =	vadd.f32 v43, v35;
	v43 =	vmul.f32 v14, v14;
	v28 =	vld [tilespmem:s25+$0x3ED0];
	v47 =	vmul.f32 $7.812500000e-03, v23;
	v23 =	vmovc v33  }
0x11f: {  	v38 =	vadd.f32 v44, v38;
	v37 =	vadd.f32 v37, v45;
	v44 =	vmul.f32 v21, v4;
	v4 =	vmovc v12;
	v29 =	vld [tilespmem:s25+$0x3EE0]  }
0x120: {  	v12 =	vmovc v34;
	v43 =	vadd.f32 v43, v46;
	v46 =	vmul.f32 v21, v5;
	v5 =	vmovc v13;
	v33 =	vld [tilespmem:s25+$0x3EF0];
	v45 =	vadd.f32 $9.999999710e-10, v47  }
0x121: {  	v34 =	vmul.f32 v21, v3;
	v3 =	vmovc v11;
	v13 =	vmov v36;
	[tilespmem:s23+$0xBB80] =	vst v44;
	v44 =	vmul.f32 v21, v7  }
0x122: {  	v11 =	vmovc v39;
	v35 =	vadd.f32 v38, v35;
	v36 =	vadd.f32 v43, v37;
	v45 =	vbroadcast v45, $0xF;
	[tilespmem:s23+$0xBB90] =	vst v46  }
.Ltmp1:
0x123: {  	v38 =	vadd.f32 v27, v26;
	v39 =	vadd.f32 v31, v30;
	v46 =	vmul.f32 v21, v6;
	[tilespmem:s23+$0xBBA0] =	vst v34;
	(pc) =	sbr.rel @p0 .LBB2_5-.Ltmp1, $4  }
0x124: {  	v7 =	vmovc v10;
	v10 =	vmovc v41;
	v34 =	vadd.f32 v36, v35;
	v35 =	vshra.s32 v45, $0x1;
	v36 =	vmul.f32 $-5.000000000e-01, v45;
	[tilespmem:s23+$0xBBB0] =	vst v44  }
0x125: {  	v41 =	vadd.f32 v28, v32;
	v43 =	vadd.f32 v33, v29;
	v37, _, _ =	vpop (xrf2);
	v35 =	vsub.s32 $0x5F3759DF, v35;
	[tilespmem:s23+$0xBBC0] =	vst v46  }
0x126: {  	v6 =	vmovc v8;
	v8 =	vmov v42;
	v37 =	vmul.f32 $7.812500000e-03, v37;
	(xrf2) =	vadd.scan.msk.f32 $0xffff, v34;
	v36 =	vmul.f32 v35, v36  }
0x127: {  	s26 =	sadd.s32 $0x200, s26;
	v38 =	vadd.f32 v39, v38;
	v34 =	vmul.f32 v21, v1;
	v1 =	vmovc v40;
	v39 =	vadd.f32 v43, v41  }
0x128: {  	_ = 	snop  }
0x129: {  	v38 =	vadd.f32 v39, v38;
	_ =	sdelay $0x1  }
0x12a: {  	v37 =	vbroadcast v37, $0xF;
	(xrf2) =	vadd.scan.msk.f32 $0xffff, v38;
	_ =	sdelay $0x1  }
0x12b: {  	v17 =	vsub.f32 v17, v37;
	v18 =	vsub.f32 v18, v37  }
0x12c: {  	v19 =	vsub.f32 v19, v37;
	v20 =	vsub.f32 v20, v37  }
0x12d: {  	v22 =	vsub.f32 v22, v37;
	v24 =	vsub.f32 v24, v37  }
0x12e: {  	v25 =	vsub.f32 v25, v37;
	v48 =	vmul.f32 v17, v17;
	v49 =	vmul.f32 v18, v18  }
0x12f: {  	v23 =	vsub.f32 v23, v37;
	v40 =	vmul.f32 v19, v19;
	v50 =	vmul.f32 v20, v20  }
0x130: {  	v41 =	vmul.f32 v22, v22;
	v42 =	vmul.f32 v24, v24  }
0x131: {  	v43 =	vmul.f32 v25, v25;
	v44 =	vmul.f32 v23, v23  }
0x132: {  	v38 =	vadd.f32 v49, v48;
	v37 =	vadd.f32 v50, v40;
	v45, _, _ =	vpop (xrf2)  }
0x133: {  	v51 =	vadd.f32 v42, v41;
	v52 =	vadd.f32 v44, v43;
	v53, _, _ =	vpop (xrf2)  }
0x134: {  	v41 =	vmul.f32 $7.812500000e-03, v53  }
0x135: {  	v37 =	vadd.f32 v37, v38;
	v54 =	vadd.f32 v52, v51  }
0x136: {  	v55 =	vbroadcast v41, $0xF  }
0x137: {  	v37 =	vadd.f32 v54, v37  }
0x138: {  	v26 =	vsub.f32 v26, v55;
	v27 =	vsub.f32 v27, v55  }
0x139: {  	v30 =	vsub.f32 v30, v55;
	v31 =	vsub.f32 v31, v55  }
0x13a: {  	v32 =	vsub.f32 v32, v55;
	v28 =	vsub.f32 v28, v55  }
0x13b: {  	v29 =	vsub.f32 v29, v55;
	v56 =	vmul.f32 v26, v26;
	v57 =	vmul.f32 v27, v27  }
0x13c: {  	v33 =	vsub.f32 v33, v55;
	v58 =	vmul.f32 v30, v30;
	v59 =	vmul.f32 v31, v31  }
0x13d: {  	(xrf2) =	vadd.scan.msk.f32 $0xffff, v37;
	v60 =	vmul.f32 v32, v32;
	v61 =	vmul.f32 v28, v28  }
0x13e: {  	v62 =	vmul.f32 v29, v29;
	v63 =	vmul.f32 v33, v33  }
0x13f: {  	v38 =	vadd.f32 v57, v56;
	v39 =	vadd.f32 v59, v58  }
0x140: {  	v48 =	vadd.f32 v61, v60;
	v37 =	vadd.f32 v63, v62  }
0x141: {  	v49 =	vmul.f32 $7.812500000e-03, v45  }
0x142: {  	v38 =	vadd.f32 v39, v38;
	v37 =	vadd.f32 v37, v48  }
0x143: {  	v36 =	vmul.f32 v35, v36;
	v50 =	vadd.f32 $9.999999710e-10, v49  }
0x144: {  	v37 =	vadd.f32 v37, v38  }
0x145: {  	v36 =	vadd.f32 $1.500000000e+00, v36;
	v39 =	vbroadcast v50, $0xF  }
0x146: {  	(xrf2) =	vadd.scan.msk.f32 $0xffff, v37  }
0x147: {  	v52 =	vmul.f32 v35, v36;
	v55, _, _ =	vpop (xrf2);
	v51 =	vshra.s32 v39, $0x1;
	v39 =	vmul.f32 $-5.000000000e-01, v39  }
0x148: {  	v0 =	vmul.f32 v21, v0;
	v56 =	vmul.f32 $7.812500000e-03, v55;
	v53 =	vsub.s32 $0x5F3759DF, v51  }
0x149: {  	[tilespmem:s23+$0xBBD0] =	vst v34;
	v9 =	vmul.f32 v52, v9;
	v54 =	vmul.f32 v53, v39  }
0x14a: {  	[tilespmem:s23+$0xBBE0] =	vst v0;
	v5 =	vmul.f32 v52, v5;
	v59 =	vadd.f32 $9.999999710e-10, v56  }
0x14b: {  	v1 =	vmul.f32 v52, v1;
	[tilespmem:s21+$0xBBF0] =	vst v9;
	v58 =	vmul.f32 v53, v54  }
0x14c: {  	v34 =	vmul.f32 v52, v2;
	[tilespmem:s21+$0xBB90] =	vst v5;
	v63 =	vbroadcast v59, $0xF  }
0x14d: {  	v9 =	vmul.f32 v52, v6;
	[tilespmem:s21+$0xBBD0] =	vst v1;
	v61 =	vadd.f32 $1.500000000e+00, v58  }
0x14e: {  	[tilespmem:s21+$0xBBE0] =	vst v34;
	v57 =	vmul.f32 v52, v4;
	v21 =	vshra.s32 v63, $0x1;
	v5 =	vmul.f32 $-5.000000000e-01, v63  }
0x14f: {  	[tilespmem:s21+$0xBBC0] =	vst v9;
	v60 =	vmul.f32 v52, v3;
	v4 =	vsub.s32 $0x5F3759DF, v21;
	v3 =	vmul.f32 v53, v61  }
0x150: {  	v62 =	vmul.f32 v52, v7;
	[tilespmem:s21+$0xBB80] =	vst v57;
	v37 =	vmul.f32 v4, v5;
	v36, _, _ =	vpop (xrf2)  }
0x151: {  	[tilespmem:s21+$0xBBA0] =	vst v60;
	v35 =	vmul.f32 v3, v14;
	v38 =	vmul.f32 $7.812500000e-03, v36  }
0x152: {  	[tilespmem:s21+$0xBBB0] =	vst v62;
	v39 =	vmul.f32 v3, v12  }
0x153: {  	v1 =	vmul.f32 v4, v37;
	v40 =	vmul.f32 v3, v13;
	[tilespmem:s22+$0xBBF0] =	vst v35;
	v5 =	vadd.f32 $9.999999710e-10, v38  }
0x154: {  	v41 =	vmul.f32 v3, v11;
	[tilespmem:s22+$0xBB80] =	vst v39  }
0x155: {  	v1 =	vadd.f32 $1.500000000e+00, v1;
	v42 =	vmul.f32 v3, v10;
	[tilespmem:s22+$0xBB90] =	vst v40;
	v43 =	vbroadcast v5, $0xF  }
0x156: {  	v44 =	vmul.f32 v3, v8;
	v45 =	vmul.f32 v3, v15;
	[tilespmem:s22+$0xBBA0] =	vst v41  }
0x157: {  	v1 =	vmul.f32 v4, v1;
	[tilespmem:s22+$0xBBB0] =	vst v42;
	v46 =	vshra.s32 v43, $0x1;
	v2 =	vmul.f32 $-5.000000000e-01, v43  }
0x158: {  	v47 =	vmul.f32 v3, v16;
	[tilespmem:s22+$0xBBC0] =	vst v44;
	v48 =	vsub.s32 $0x5F3759DF, v46  }
0x159: {  	[tilespmem:s22+$0xBBD0] =	vst v45;
	v49 =	vmul.f32 v1, v23;
	v2 =	vmul.f32 v48, v2  }
0x15a: {  	[tilespmem:s22+$0xBBE0] =	vst v47;
	v50 =	vmul.f32 v1, v17  }
0x15b: {  	v51 =	vmul.f32 v1, v18;
	[tilespmem:s24+$0xBBF0] =	vst v49;
	v2 =	vmul.f32 v48, v2  }
0x15c: {  	v52 =	vmul.f32 v1, v19;
	[tilespmem:s24+$0xBB80] =	vst v50  }
0x15d: {  	v53 =	vmul.f32 v1, v20;
	[tilespmem:s24+$0xBB90] =	vst v51;
	v2 =	vadd.f32 $1.500000000e+00, v2  }
0x15e: {  	v54 =	vmul.f32 v1, v22;
	[tilespmem:s24+$0xBBA0] =	vst v52  }
0x15f: {  	v55 =	vmul.f32 v1, v24;
	[tilespmem:s24+$0xBBB0] =	vst v53;
	v2 =	vmul.f32 v48, v2  }
0x160: {  	v56 =	vmul.f32 v1, v25;
	[tilespmem:s24+$0xBBC0] =	vst v54  }
0x161: {  	[tilespmem:s24+$0xBBD0] =	vst v55;
	v57 =	vmul.f32 v2, v33  }
0x162: {  	[tilespmem:s24+$0xBBE0] =	vst v56;
	v58 =	vmul.f32 v2, v26  }
0x163: {  	v59 =	vmul.f32 v2, v27;
	[tilespmem:s25+$0xBBF0] =	vst v57  }
0x164: {  	v60 =	vmul.f32 v2, v30;
	[tilespmem:s25+$0xBB80] =	vst v58  }
0x165: {  	s19 =	sadd.s32 $0x1, s19;
	v3 =	vmul.f32 v2, v31;
	[tilespmem:s25+$0xBB90] =	vst v59  }
0x166: {  	p0 =	sne.s32 s19, $0xC;
	v61 =	vmul.f32 v2, v32;
	[tilespmem:s25+$0xBBA0] =	vst v60  }
.Ltmp2:
0x167: {  	v62 =	vmul.f32 v2, v28;
	[tilespmem:s25+$0xBBB0] =	vst v3;
	(pc) =	sbr.rel @p0 .LBB2_2-.Ltmp2, $4  }
0x168: {  	v63 =	vmul.f32 v2, v29;
	[tilespmem:s25+$0xBBC0] =	vst v61  }
0x169: {  	[tilespmem:s25+$0xBBD0] =	vst v62  }
0x16a: {  	s20 =	sadd.s32 s3, s20;
	[tilespmem:s25+$0xBBE0] =	vst v63  }
0x16b: {  	[hbm4b:s20+s4] =	stream.linear.scatter [tilespmem:s15], [sflag:$0x4], $0x3E80, $0x38;
	[tilespmem:$0xFA00] =	vst v63  }
0x16c: {  	_ =	swait.ge [sflag:s12], $0x3E80  }
0x16d: {  	[sflag:s12] =	ssyncset.done $0x0  }
0x16e: {  	[sflag:s12] =	ssyncadd.s32 $0xFFFFC180  }
0x16f: {  	_ =	swait.ge [sflag:s16], $0x3E80  }
0x170: {  	[sflag:s16] =	ssyncset.done $0x0  }
0x171: {  	s21 =	simm.s32 $0x0;
	[sflag:s16] =	ssyncadd.s32 $0xFFFFC180  }
0x172: {  	v0 =	vld [tilespmem:s21+$0x0]  }
0x173: {  	v1 =	vld [tilespmem:s21+$0x10]  }
0x174: {  	v2 =	vld [tilespmem:s21+$0x20]  }
0x175: {  	v3 =	vld [tilespmem:s21+$0x30]  }
0x176: {  	v4 =	vld [tilespmem:s21+$0x40]  }
0x177: {  	v5 =	vld [tilespmem:s21+$0x50]  }
0x178: {  	v6 =	vld [tilespmem:s21+$0x60]  }
0x179: {  	v7 =	vld [tilespmem:s21+$0x70];
	_ =	sdelay $0x3  }
0x17a: {  	v8 =	vadd.f32 v1, v0;
	v9 =	vadd.f32 v3, v2  }
0x17b: {  	v10 =	vadd.f32 v5, v4;
	v11 =	vadd.f32 v7, v6;
	_ =	sdelay $0x1  }
0x17c: {  	v8 =	vadd.f32 v9, v8;
	v9 =	vadd.f32 v11, v10  }
0x17d: {  	s19 =	simm.s32 $0x80  }
0x17e: {  	v12 =	vld [tilespmem:s19+$0x40];
	v8 =	vadd.f32 v9, v8  }
0x17f: {  	v13 =	vld [tilespmem:s19+$0x50]  }
0x180: {  	v14 =	vld [tilespmem:s19+$0x60];
	(xrf2) =	vadd.scan.msk.f32 $0xffff, v8  }
0x181: {  	v15 =	vld [tilespmem:s19+$0x70]  }
0x182: {  	v10 =	vld [tilespmem:s19+$0x10]  }
0x183: {  	v11 =	vld [tilespmem:s19+$0x20]  }
0x184: {  	v9 =	vld [tilespmem:s19+$0x0]  }
0x185: {  	v8 =	vld [tilespmem:s19+$0x30];
	_ =	sdelay $0x3  }
0x186: {  	v18 =	vadd.f32 v13, v12;
	v19 =	vadd.f32 v15, v14  }
0x187: {  	v16 =	vadd.f32 v10, v9;
	v17 =	vadd.f32 v8, v11;
	v20, _, _ =	vpop (xrf2)  }
0x188: {  	v20 =	vmul.f32 $7.812500000e-03, v20  }
0x189: {  	v16 =	vadd.f32 v17, v16;
	v17 =	vadd.f32 v19, v18  }
0x18a: {  	v18 =	vbroadcast v20, $0xF  }
0x18b: {  	v16 =	vadd.f32 v17, v16  }
0x18c: {  	s20 =	simm.s32 $0x100;
	v33 =	vsub.f32 v0, v18;
	v36 =	vsub.f32 v1, v18  }
0x18d: {  	v21 =	vld [tilespmem:s20+$0x0];
	v37 =	vsub.f32 v2, v18;
	v38 =	vsub.f32 v3, v18  }
0x18e: {  	v26 =	vld [tilespmem:s20+$0x10];
	v35 =	vsub.f32 v4, v18;
	v34 =	vsub.f32 v5, v18  }
0x18f: {  	v27 =	vld [tilespmem:s20+$0x20];
	(xrf2) =	vadd.scan.msk.f32 $0xffff, v16;
	v0 =	vsub.f32 v6, v18;
	v1 =	vmul.f32 v33, v33;
	v2 =	vmul.f32 v36, v36  }
0x190: {  	v29 =	vld [tilespmem:s20+$0x40];
	v28 =	vsub.f32 v7, v18;
	v3 =	vmul.f32 v37, v37;
	v4 =	vmul.f32 v38, v38  }
0x191: {  	v31 =	vld [tilespmem:s20+$0x60];
	v5 =	vmul.f32 v35, v35;
	v6 =	vmul.f32 v34, v34  }
0x192: {  	v32 =	vld [tilespmem:s20+$0x70];
	v7 =	vmul.f32 v0, v0;
	v17 =	vmul.f32 v28, v28  }
0x193: {  	v16 =	vld [tilespmem:s20+$0x30];
	v1 =	vadd.f32 v2, v1;
	v2 =	vadd.f32 v4, v3  }
0x194: {  	v30 =	vld [tilespmem:s20+$0x50];
	v3 =	vadd.f32 v6, v5;
	v4 =	vadd.f32 v17, v7;
	_ =	sdelay $0x1  }
0x195: {  	v1 =	vadd.f32 v2, v1;
	v2 =	vadd.f32 v4, v3  }
0x196: {  	v5 =	vadd.f32 v32, v31  }
0x197: {  	v3 =	vadd.f32 v16, v27;
	v1 =	vadd.f32 v2, v1  }
0x198: {  	v4 =	vadd.f32 v30, v29;
	v6, _, _ =	vpop (xrf2);
	v2 =	vadd.f32 v26, v21  }
0x199: {  	(xrf2) =	vadd.scan.msk.f32 $0xffff, v1;
	v1 =	vmul.f32 $7.812500000e-03, v6  }
0x19a: {  	v2 =	vadd.f32 v3, v2;
	v3 =	vadd.f32 v5, v4  }
0x19b: {  	v22 =	vbroadcast v1, $0xF  }
0x19c: {  	v2 =	vadd.f32 v3, v2  }
0x19d: {  	s22 =	simm.s32 $0x180;
	v4 =	vsub.f32 v9, v22;
	v5 =	vsub.f32 v10, v22  }
0x19e: {  	v24 =	vld [tilespmem:s22+$0x50];
	v3 =	vsub.f32 v11, v22;
	v7 =	vsub.f32 v8, v22  }
0x19f: {  	v25 =	vld [tilespmem:s22+$0x60];
	v6 =	vsub.f32 v12, v22;
	v1 =	vsub.f32 v13, v22  }
0x1a0: {  	v19 =	vld [tilespmem:s22+$0x20];
	(xrf2) =	vadd.scan.msk.f32 $0xffff, v2;
	v2 =	vsub.f32 v14, v22;
	v8 =	vmul.f32 v4, v4;
	v10 =	vmul.f32 v5, v5  }
0x1a1: {  	v18 =	vld [tilespmem:s22+$0x10];
	v9 =	vsub.f32 v15, v22;
	v11 =	vmul.f32 v3, v3;
	v12 =	vmul.f32 v7, v7  }
0x1a2: {  	v17 =	vld [tilespmem:s22+$0x0];
	v13 =	vmul.f32 v6, v6;
	v14 =	vmul.f32 v1, v1  }
0x1a3: {  	v22 =	vld [tilespmem:s22+$0x40];
	v15 =	vmul.f32 v2, v2;
	v8 =	vadd.f32 v10, v8;
	v10 =	vmul.f32 v9, v9;
	v23, _, _ =	vpop (xrf2)  }
0x1a4: {  	v20 =	vld [tilespmem:s22+$0x30];
	v11 =	vadd.f32 v12, v11;
	v39 =	vmul.f32 $7.812500000e-03, v23  }
0x1a5: {  	v12 =	vadd.f32 v14, v13;
	v10 =	vadd.f32 v10, v15;
	v23 =	vld [tilespmem:s22+$0x70]  }
0x1a6: {  	v13 =	vadd.f32 $9.999999710e-10, v39  }
0x1a7: {  	v8 =	vadd.f32 v11, v8;
	v10 =	vadd.f32 v10, v12  }
0x1a8: {  	v14 =	vadd.f32 v24, v22;
	v12 =	vadd.f32 v18, v17;
	v11 =	vbroadcast v13, $0xF  }
0x1a9: {  	v8 =	vadd.f32 v10, v8;
	v13 =	vadd.f32 v20, v19  }
0x1aa: {  	v46, _, _ =	vpop (xrf2);
	v15 =	vadd.f32 v23, v25;
	v10 =	vshra.s32 v11, $0x1;
	v11 =	vmul.f32 $-5.000000000e-01, v11  }
0x1ab: {  	(xrf2) =	vadd.scan.msk.f32 $0xffff, v8;
	v40 =	vsub.s32 $0x5F3759DF, v10;
	v10 =	vmul.f32 $7.812500000e-03, v46  }
0x1ac: {  	v8 =	vmul.f32 v40, v11;
	v11 =	vadd.f32 v13, v12;
	v12 =	vadd.f32 v15, v14  }
0x1ad: {  	v14 =	vbroadcast v10, $0xF  }
0x1ae: {  	v47 =	vadd.f32 v12, v11  }
0x1af: {  	v8 =	vmul.f32 v40, v8;
	v12 =	vsub.f32 v21, v14;
	v13 =	vsub.f32 v26, v14  }
0x1b0: {  	s23 =	simm.s32 $0x200;
	v11 =	vsub.f32 v27, v14;
	v10 =	vsub.f32 v16, v14  }
0x1b1: {  	v26 =	vld [tilespmem:s23+$0x0];
	v16 =	vsub.f32 v31, v14;
	v15 =	vadd.f32 $1.500000000e+00, v8  }
0x1b2: {  	v27 =	vld [tilespmem:s23+$0x10];
	v8 =	vsub.f32 v29, v14;
	v29 =	vmul.f32 v12, v12;
	v48 =	vmul.f32 v13, v13  }
0x1b3: {  	v31 =	vld [tilespmem:s23+$0x30];
	(xrf2) =	vadd.scan.msk.f32 $0xffff, v47;
	v49 =	vmul.f32 v11, v11;
	v21 =	vmul.f32 v40, v15;
	v15 =	vsub.f32 v30, v14  }
0x1b4: {  	v42 =	vmul.f32 v10, v10;
	v45 =	vmul.f32 v16, v16;
	v30 =	vld [tilespmem:s23+$0x20];
	v14 =	vsub.f32 v32, v14  }
0x1b5: {  	v43 =	vmul.f32 v8, v8;
	v32 =	vld [tilespmem:s23+$0x40];
	v46, _, _ =	vpop (xrf2);
	v40 =	vadd.f32 v48, v29;
	v44 =	vmul.f32 v15, v15  }
0x1b6: {  	v39 =	vadd.f32 v42, v49;
	v29 =	vld [tilespmem:s23+$0x60];
	v47 =	vmul.f32 v14, v14;
	v46 =	vmul.f32 $7.812500000e-03, v46  }
0x1b7: {  	v41 =	vmul.f32 v21, v28;
	v28 =	vld [tilespmem:s23+$0x50];
	v51 =	vmul.f32 v21, v33;
	v50 =	vadd.f32 v44, v43  }
0x1b8: {  	v33 =	vld [tilespmem:s23+$0x70];
	v36 =	vmul.f32 v21, v36;
	v52 =	vadd.f32 v47, v45;
	v53 =	vadd.f32 $9.999999710e-10, v46  }
0x1b9: {  	v37 =	vmul.f32 v21, v37;
	v38 =	vmul.f32 v21, v38  }
0x1ba: {  	v39 =	vadd.f32 v39, v40;
	[tilespmem:s21+$0x7D70] =	vst v41;
	v54 =	vadd.f32 v52, v50;
	v55 =	vbroadcast v53, $0xF  }
0x1bb: {  	v56 =	vadd.f32 v27, v26;
	v58 =	vmul.f32 v21, v35;
	[tilespmem:s21+$0x7D00] =	vst v51;
	v57 =	vadd.f32 v31, v30  }
0x1bc: {  	[tilespmem:s21+$0x7D10] =	vst v36;
	v39 =	vadd.f32 v54, v39;
	v59 =	vshra.s32 v55, $0x1;
	v60 =	vmul.f32 $-5.000000000e-01, v55  }
0x1bd: {  	[tilespmem:s21+$0x7D20] =	vst v37;
	v61 =	vadd.f32 v28, v32;
	v62 =	vadd.f32 v33, v29;
	v63, _, _ =	vpop (xrf2);
	v35 =	vsub.s32 $0x5F3759DF, v59  }
0x1be: {  	[tilespmem:s21+$0x7D30] =	vst v38;
	v37 =	vmul.f32 $7.812500000e-03, v63;
	v36 =	vmul.f32 v35, v60;
	(xrf2) =	vadd.scan.msk.f32 $0xffff, v39  }
0x1bf: {  	s24 =	simm.s32 $0xA00;
	v34 =	vmul.f32 v21, v34;
	[tilespmem:s21+$0x7D40] =	vst v58;
	v38 =	vadd.f32 v57, v56;
	v39 =	vadd.f32 v62, v61  }
.LBB2_8:
0x1c0: {  	p0 =	sne.s32 s24, $0xF800;
	v37 =	vbroadcast v37, $0xF;
	v36 =	vmul.f32 v35, v36;
	v40 =	vmov v15  }
0x1c1: {  	v15 =	vmul.f32 v21, v0;
	v0 =	vmovc v2;
	v2 =	vmov v16;
	v38 =	vadd.f32 v39, v38;
	[tilespmem:s21+$0x7D50] =	vst v34  }
0x1c2: {  	v34 =	vsub.f32 v17, v37;
	v16 =	vadd.f32 $1.500000000e+00, v36;
	v17 =	vmov v26  }
0x1c3: {  	s25 =	sshra.s32 s24, $0x2;
	v36 =	vsub.f32 v18, v37;
	v39 =	vsub.f32 v19, v37;
	v18 =	vmovc v27;
	v19 =	vmov v30;
	[tilespmem:s21+$0x7D60] =	vst v15;
	s21 =	smov.u32 s19;
	s19 =	smov.u32 s20  }
0x1c4: {  	v41 =	vsub.f32 v20, v37;
	v42 =	vsub.f32 v22, v37;
	v20 =	vmovc v31;
	s20 =	smov.u32 s22;
	s22 =	smov.u32 s23;
	s23 =	smov.u32 s25;
	v26 =	vld [tilespmem:s25+$0x0];
	v21 =	vmul.f32 v35, v16  }
0x1c5: {  	v22 =	vmovc v32;
	v15 =	vsub.f32 v24, v37;
	v35 =	vmul.f32 v34, v34;
	v43 =	vmul.f32 v36, v36;
	v27 =	vld [tilespmem:s23+$0x10]  }
0x1c6: {  	v16 =	vsub.f32 v25, v37;
	v30 =	vld [tilespmem:s23+$0x20];
	(xrf2) =	vadd.scan.msk.f32 $0xffff, v38;
	v38 =	vmul.f32 v39, v39;
	v48 =	vmul.f32 v21, v9  }
0x1c7: {  	v44 =	vmul.f32 v41, v41;
	v45 =	vmul.f32 v42, v42;
	v9 =	vmovc v14;
	v14 =	vsub.f32 v23, v37;
	v31 =	vld [tilespmem:s23+$0x30]  }
0x1c8: {  	v24 =	vmov v28;
	v37 =	vmul.f32 v15, v15;
	v46 =	vmul.f32 v16, v16;
	v32 =	vld [tilespmem:s23+$0x40];
	v23, _, _ =	vpop (xrf2);
	[tilespmem:s21+$0x7D70] =	vst v48  }
0x1c9: {  	v25 =	vmovc v29;
	v35 =	vadd.f32 v43, v35;
	v43 =	vmul.f32 v14, v14;
	v28 =	vld [tilespmem:s23+$0x50];
	v47 =	vmul.f32 $7.812500000e-03, v23;
	v23 =	vmovc v33  }
0x1ca: {  	v38 =	vadd.f32 v44, v38;
	v37 =	vadd.f32 v37, v45;
	v44 =	vmul.f32 v21, v4;
	v4 =	vmovc v12;
	v29 =	vld [tilespmem:s23+$0x60]  }
0x1cb: {  	v12 =	vmovc v34;
	v43 =	vadd.f32 v43, v46;
	v46 =	vmul.f32 v21, v5;
	v5 =	vmovc v13;
	v33 =	vld [tilespmem:s23+$0x70];
	v45 =	vadd.f32 $9.999999710e-10, v47  }
0x1cc: {  	v34 =	vmul.f32 v21, v3;
	v3 =	vmovc v11;
	v13 =	vmov v36;
	[tilespmem:s21+$0x7D00] =	vst v44;
	v44 =	vmul.f32 v21, v7  }
0x1cd: {  	v11 =	vmovc v39;
	v35 =	vadd.f32 v38, v35;
	v36 =	vadd.f32 v43, v37;
	v45 =	vbroadcast v45, $0xF;
	[tilespmem:s21+$0x7D10] =	vst v46  }
.Ltmp3:
0x1ce: {  	v38 =	vadd.f32 v27, v26;
	v39 =	vadd.f32 v31, v30;
	v46 =	vmul.f32 v21, v6;
	[tilespmem:s21+$0x7D20] =	vst v34;
	(pc) =	sbr.rel @p0 .LBB2_8-.Ltmp3, $4  }
0x1cf: {  	v7 =	vmovc v10;
	v10 =	vmovc v41;
	v34 =	vadd.f32 v36, v35;
	v35 =	vshra.s32 v45, $0x1;
	v36 =	vmul.f32 $-5.000000000e-01, v45;
	[tilespmem:s21+$0x7D30] =	vst v44  }
0x1d0: {  	v41 =	vadd.f32 v28, v32;
	v43 =	vadd.f32 v33, v29;
	v37, _, _ =	vpop (xrf2);
	v35 =	vsub.s32 $0x5F3759DF, v35;
	[tilespmem:s21+$0x7D40] =	vst v46  }
0x1d1: {  	v6 =	vmovc v8;
	v8 =	vmov v42;
	v37 =	vmul.f32 $7.812500000e-03, v37;
	(xrf2) =	vadd.scan.msk.f32 $0xffff, v34;
	v36 =	vmul.f32 v35, v36  }
0x1d2: {  	s24 =	sadd.s32 $0x200, s24;
	v38 =	vadd.f32 v39, v38;
	v34 =	vmul.f32 v21, v1;
	v1 =	vmovc v40;
	v39 =	vadd.f32 v43, v41  }
0x1d3: {  	_ = 	snop  }
0x1d4: {  	v38 =	vadd.f32 v39, v38;
	_ =	sdelay $0x1  }
0x1d5: {  	v37 =	vbroadcast v37, $0xF;
	(xrf2) =	vadd.scan.msk.f32 $0xffff, v38;
	_ =	sdelay $0x1  }
0x1d6: {  	v17 =	vsub.f32 v17, v37;
	v18 =	vsub.f32 v18, v37  }
0x1d7: {  	v19 =	vsub.f32 v19, v37;
	v20 =	vsub.f32 v20, v37  }
0x1d8: {  	v22 =	vsub.f32 v22, v37;
	v24 =	vsub.f32 v24, v37  }
0x1d9: {  	v25 =	vsub.f32 v25, v37;
	v48 =	vmul.f32 v17, v17;
	v49 =	vmul.f32 v18, v18  }
0x1da: {  	v23 =	vsub.f32 v23, v37;
	v40 =	vmul.f32 v19, v19;
	v50 =	vmul.f32 v20, v20  }
0x1db: {  	v41 =	vmul.f32 v22, v22;
	v42 =	vmul.f32 v24, v24  }
0x1dc: {  	v43 =	vmul.f32 v25, v25;
	v44 =	vmul.f32 v23, v23  }
0x1dd: {  	v38 =	vadd.f32 v49, v48;
	v37 =	vadd.f32 v50, v40;
	v45, _, _ =	vpop (xrf2)  }
0x1de: {  	v51 =	vadd.f32 v42, v41;
	v52 =	vadd.f32 v44, v43;
	v53, _, _ =	vpop (xrf2)  }
0x1df: {  	v41 =	vmul.f32 $7.812500000e-03, v53  }
0x1e0: {  	v37 =	vadd.f32 v37, v38;
	v54 =	vadd.f32 v52, v51  }
0x1e1: {  	v55 =	vbroadcast v41, $0xF  }
0x1e2: {  	v37 =	vadd.f32 v54, v37  }
0x1e3: {  	v26 =	vsub.f32 v26, v55;
	v27 =	vsub.f32 v27, v55  }
0x1e4: {  	v30 =	vsub.f32 v30, v55;
	v31 =	vsub.f32 v31, v55  }
0x1e5: {  	v32 =	vsub.f32 v32, v55;
	v28 =	vsub.f32 v28, v55  }
0x1e6: {  	v29 =	vsub.f32 v29, v55;
	v56 =	vmul.f32 v26, v26;
	v57 =	vmul.f32 v27, v27  }
0x1e7: {  	v33 =	vsub.f32 v33, v55;
	v58 =	vmul.f32 v30, v30;
	v59 =	vmul.f32 v31, v31  }
0x1e8: {  	(xrf2) =	vadd.scan.msk.f32 $0xffff, v37;
	v60 =	vmul.f32 v32, v32;
	v61 =	vmul.f32 v28, v28  }
0x1e9: {  	v62 =	vmul.f32 v29, v29;
	v63 =	vmul.f32 v33, v33  }
0x1ea: {  	v38 =	vadd.f32 v57, v56;
	v39 =	vadd.f32 v59, v58  }
0x1eb: {  	v48 =	vadd.f32 v61, v60;
	v37 =	vadd.f32 v63, v62  }
0x1ec: {  	v49 =	vmul.f32 $7.812500000e-03, v45  }
0x1ed: {  	v38 =	vadd.f32 v39, v38;
	v37 =	vadd.f32 v37, v48  }
0x1ee: {  	v36 =	vmul.f32 v35, v36;
	v50 =	vadd.f32 $9.999999710e-10, v49  }
0x1ef: {  	v37 =	vadd.f32 v37, v38  }
0x1f0: {  	v36 =	vadd.f32 $1.500000000e+00, v36;
	v39 =	vbroadcast v50, $0xF  }
0x1f1: {  	(xrf2) =	vadd.scan.msk.f32 $0xffff, v37  }
0x1f2: {  	v52 =	vmul.f32 v35, v36;
	v55, _, _ =	vpop (xrf2);
	v51 =	vshra.s32 v39, $0x1;
	v39 =	vmul.f32 $-5.000000000e-01, v39  }
0x1f3: {  	v0 =	vmul.f32 v21, v0;
	v56 =	vmul.f32 $7.812500000e-03, v55;
	v53 =	vsub.s32 $0x5F3759DF, v51  }
0x1f4: {  	[tilespmem:s21+$0x7D50] =	vst v34;
	v9 =	vmul.f32 v52, v9;
	v54 =	vmul.f32 v53, v39  }
0x1f5: {  	[tilespmem:s21+$0x7D60] =	vst v0;
	v5 =	vmul.f32 v52, v5;
	v59 =	vadd.f32 $9.999999710e-10, v56  }
0x1f6: {  	v1 =	vmul.f32 v52, v1;
	[tilespmem:s19+$0x7D70] =	vst v9;
	v58 =	vmul.f32 v53, v54  }
0x1f7: {  	v34 =	vmul.f32 v52, v2;
	[tilespmem:s19+$0x7D10] =	vst v5;
	v63 =	vbroadcast v59, $0xF  }
0x1f8: {  	v9 =	vmul.f32 v52, v6;
	[tilespmem:s19+$0x7D50] =	vst v1;
	v61 =	vadd.f32 $1.500000000e+00, v58  }
0x1f9: {  	[tilespmem:s19+$0x7D60] =	vst v34;
	v57 =	vmul.f32 v52, v4;
	v21 =	vshra.s32 v63, $0x1;
	v5 =	vmul.f32 $-5.000000000e-01, v63  }
0x1fa: {  	[tilespmem:s19+$0x7D40] =	vst v9;
	v60 =	vmul.f32 v52, v3;
	v4 =	vsub.s32 $0x5F3759DF, v21;
	v3 =	vmul.f32 v53, v61  }
0x1fb: {  	v62 =	vmul.f32 v52, v7;
	[tilespmem:s19+$0x7D00] =	vst v57;
	v37 =	vmul.f32 v4, v5;
	v36, _, _ =	vpop (xrf2)  }
0x1fc: {  	[tilespmem:s19+$0x7D20] =	vst v60;
	v35 =	vmul.f32 v3, v14;
	v38 =	vmul.f32 $7.812500000e-03, v36  }
0x1fd: {  	[tilespmem:s19+$0x7D30] =	vst v62;
	v39 =	vmul.f32 v3, v12  }
0x1fe: {  	v1 =	vmul.f32 v4, v37;
	v40 =	vmul.f32 v3, v13;
	[tilespmem:s20+$0x7D70] =	vst v35;
	v5 =	vadd.f32 $9.999999710e-10, v38  }
0x1ff: {  	v41 =	vmul.f32 v3, v11;
	[tilespmem:s20+$0x7D00] =	vst v39  }
0x200: {  	v1 =	vadd.f32 $1.500000000e+00, v1;
	v42 =	vmul.f32 v3, v10;
	[tilespmem:s20+$0x7D10] =	vst v40;
	v43 =	vbroadcast v5, $0xF  }
0x201: {  	v44 =	vmul.f32 v3, v8;
	v45 =	vmul.f32 v3, v15;
	[tilespmem:s20+$0x7D20] =	vst v41  }
0x202: {  	v1 =	vmul.f32 v4, v1;
	[tilespmem:s20+$0x7D30] =	vst v42;
	v46 =	vshra.s32 v43, $0x1;
	v2 =	vmul.f32 $-5.000000000e-01, v43  }
0x203: {  	v47 =	vmul.f32 v3, v16;
	[tilespmem:s20+$0x7D40] =	vst v44;
	v48 =	vsub.s32 $0x5F3759DF, v46  }
0x204: {  	[tilespmem:s20+$0x7D50] =	vst v45;
	v49 =	vmul.f32 v1, v23;
	v2 =	vmul.f32 v48, v2  }
0x205: {  	[tilespmem:s20+$0x7D60] =	vst v47;
	v50 =	vmul.f32 v1, v17  }
0x206: {  	v51 =	vmul.f32 v1, v18;
	[tilespmem:s22+$0x7D70] =	vst v49;
	v2 =	vmul.f32 v48, v2  }
0x207: {  	v52 =	vmul.f32 v1, v19;
	[tilespmem:s22+$0x7D00] =	vst v50  }
0x208: {  	v53 =	vmul.f32 v1, v20;
	[tilespmem:s22+$0x7D10] =	vst v51;
	v2 =	vadd.f32 $1.500000000e+00, v2  }
0x209: {  	v54 =	vmul.f32 v1, v22;
	[tilespmem:s22+$0x7D20] =	vst v52  }
0x20a: {  	v55 =	vmul.f32 v1, v24;
	[tilespmem:s22+$0x7D30] =	vst v53;
	v2 =	vmul.f32 v48, v2  }
0x20b: {  	v56 =	vmul.f32 v1, v25;
	[tilespmem:s22+$0x7D40] =	vst v54  }
0x20c: {  	[tilespmem:s22+$0x7D50] =	vst v55;
	v57 =	vmul.f32 v2, v33  }
0x20d: {  	[tilespmem:s22+$0x7D60] =	vst v56;
	v58 =	vmul.f32 v2, v26  }
0x20e: {  	v59 =	vmul.f32 v2, v27;
	[tilespmem:s23+$0x7D70] =	vst v57  }
0x20f: {  	v60 =	vmul.f32 v2, v30;
	[tilespmem:s23+$0x7D00] =	vst v58  }
0x210: {  	v3 =	vmul.f32 v2, v31;
	[tilespmem:s23+$0x7D10] =	vst v59  }
0x211: {  	v61 =	vmul.f32 v2, v32;
	[tilespmem:s23+$0x7D20] =	vst v60  }
0x212: {  	v62 =	vmul.f32 v2, v28;
	[tilespmem:s23+$0x7D30] =	vst v3  }
0x213: {  	v63 =	vmul.f32 v2, v29;
	[tilespmem:s23+$0x7D40] =	vst v61  }
0x214: {  	[tilespmem:s23+$0x7D50] =	vst v62  }
0x215: {  	s18 =	sadd.s32 $0x1, s18;
	[tilespmem:s23+$0x7D60] =	vst v63  }
0x216: {  	[hbm4b:s9+s4] =	stream.linear.scatter [tilespmem:s13], [sflag:$0x3], $0x3E80, $0x38;
	[tilespmem:$0xFA00] =	vst v63  }
0x217: {  	p0 =	sne.s32 s18, s10;
	_ =	swait.ge [sflag:s17], $0x3E80  }
.Ltmp4:
0x218: {  	[sflag:s17] =	ssyncset.done $0x0;
	(pc) =	sbr.rel @p0 .LBB2_1-.Ltmp4, $4  }
0x219: {  	[sflag:s17] =	ssyncadd.s32 $0xFFFFC180  }
0x21a: {  	_ =	swait.ge [sflag:s16], $0x3E80  }
0x21b: {  	[sflag:s16] =	ssyncset.done $0x0  }
0x21c: {  	[sflag:s16] =	ssyncadd.s32 $0xFFFFC180  }
0x21d: {  	_ =	sfence.sel $0x180000  }
0x21e: {  	[bflag:$0x0] =	sbarrier.arrive $0xFFFF  }
0x21f: {  	p0 =	sne.s32 s0, $0x0;
	_ =	strace $0x90000047  }
0x220: {  	s0 =	sadd.s32 @!p0 $0x100000, s1;
	[bflag:$0x2] =	sbarrier.arrive $0xFFFF  }
0x221: {  	[sflag:s0] =	ssyncadd.tile.s32 @!p0 $0x1;
	_ =	shalt  }
.Lfunc_end2:
_tile_overlayer_lowered:
.L_overlay_start_2:
0x222: {  	(tag) =	ssettag $0x2  }
0x223: {  	s0 =	rddreg [dreg:$0x0];
	s2 =	stileid.u32  }
0x224: {  	s1 =	rddreg [dreg:$0x1];
	p0 =	sne.s32 s2, $0x0  }
0x225: {  	s3 =	rddreg [dreg:$0x2];
	[bflag:$0x3] =	sbarrier.arrive $0xFFFF;
	s2 =	simm.s32 @!p0 $0x1C05  }
0x226: {  	[timem:s3], [sflag:s2] =	dma.local @!p0 [hbm:s0], s1  }
0x227: {  	s0 =	simm.s32 @!p0 $0x5  }
0x228: {  	_ =	swait.ge @!p0 [sflag:s0], s1  }
0x229: {  	s1 =	ssub.s32 @!p0 $0x0, s1;
	[sflag:s0] =	ssyncset.done @!p0 $0x0  }
0x22a: {  	[sflag:s0] =	ssyncadd.s32 @!p0 s1  }
0x22b: {  	[bflag:$0x3] =	sbarrier.arrive $0xFFFF  }
0x22c: {  	_ =	shalt  }

</sc_bundles>
